<compile_context>
chip_gen: v7x
topology: tpu7x:2x2x1
jax: 0.10.2.dev20260603
libtpu: 0.0.44.dev20260713+nightly
codegen_flags: <defaults>
</compile_context>

<pallas_src>
import functools

import jax
import jax.numpy as jnp
from jax import lax
from jax.experimental import pallas as pl
from jax.experimental.pallas import tpu as pltpu
from jax.experimental.pallas import tpu_sc as plsc

H = 128
D = 64
W = 128

BLK_E = 2000
BLK_T = 4000

NCORE = 2
NSUB = 16
NCHUNK = 50
SUB = 32
ZO = 40


def _silu(v):
    return v * (1.0 / (1.0 + jnp.exp(-v)))


def _edge_down_body(x_ref, rbf_ref, w_rbf1, w_rbf2, w_kj, b_kj, w_down, o_ref):
    x = x_ref[...]
    xk = _silu(jnp.dot(x, w_kj[...], preferred_element_type=jnp.float32) + b_kj[...])
    rbf_e = jnp.dot(
        jnp.dot(rbf_ref[...], w_rbf1[...], preferred_element_type=jnp.float32),
        w_rbf2[...], preferred_element_type=jnp.float32)
    val = _silu(jnp.dot(xk * rbf_e, w_down[...],
                        preferred_element_type=jnp.float32))
    o_ref[...] = jnp.concatenate([val, jnp.zeros_like(val)], axis=1)


def _edge_down(x, rbf, w_rbf1, w_rbf2, w_kj, b_kj, w_down):
    e = x.shape[0]
    nr = rbf.shape[1]
    bas = w_rbf1.shape[1]
    grid = e // BLK_E
    full = lambda *shape: pl.BlockSpec(shape, lambda i: (0,) * len(shape))
    return pl.pallas_call(
        _edge_down_body,
        grid=(grid,),
        in_specs=[
            pl.BlockSpec((BLK_E, H), lambda i: (i, 0)),
            pl.BlockSpec((BLK_E, nr), lambda i: (i, 0)),
            full(nr, bas), full(bas, H), full(H, H), full(1, H), full(H, D),
        ],
        out_specs=pl.BlockSpec((BLK_E, W), lambda i: (i, 0)),
        out_shape=jax.ShapeDtypeStruct((e, W), jnp.float32),
    )(x, rbf, w_rbf1, w_rbf2, w_kj, b_kj, w_down)


def _sbf_body(sbf_ref, w_sbf1, w_sbf2, o_ref):
    val = jnp.dot(
        jnp.dot(sbf_ref[...], w_sbf1[...], preferred_element_type=jnp.float32),
        w_sbf2[...], preferred_element_type=jnp.float32)
    o_ref[...] = jnp.concatenate([val, jnp.zeros_like(val)], axis=1)


def _sbf_emb(sbf, w_sbf1, w_sbf2):
    t, sr = sbf.shape
    bas = w_sbf1.shape[1]
    grid = t // BLK_T
    full = lambda *shape: pl.BlockSpec(shape, lambda i: (0,) * len(shape))
    return pl.pallas_call(
        _sbf_body,
        grid=(grid,),
        in_specs=[
            pl.BlockSpec((BLK_T, sr), lambda i: (i, 0)),
            full(sr, bas), full(bas, D),
        ],
        out_specs=pl.BlockSpec((BLK_T, W), lambda i: (i, 0)),
        out_shape=jax.ShapeDtypeStruct((t, W), jnp.float32),
    )(sbf, w_sbf1, w_sbf2)


def _make_sc_scatter(e, t):
    chunk = e // NCHUNK
    cpc = NCHUNK // NCORE
    rps = chunk // NSUB
    slice_t = t // NSUB
    sb = 4000
    nb_scan = slice_t // sb
    listcap = sb + SUB + 32

    mesh = plsc.VectorSubcoreMesh(core_axis_name="c", subcore_axis_name="s",
                                  num_cores=NCORE, num_subcores=NSUB)

    @functools.partial(
        pl.kernel, mesh=mesh,
        compiler_params=pltpu.CompilerParams(needs_layout_passes=False),
        out_type=jax.ShapeDtypeStruct((e, W), jnp.float32),
        scratch_types=[
            pltpu.VMEM((sb,), jnp.int32),
            pltpu.VMEM((sb,), jnp.int32),
            pltpu.VMEM((listcap,), jnp.int32),
            pltpu.VMEM((listcap,), jnp.int32),
            [pltpu.VMEM((SUB,), jnp.int32)] * 2,
            [pltpu.VMEM((SUB,), jnp.int32)] * 2,
            [pltpu.VMEM((SUB,), jnp.int32)] * 2,
            [pltpu.VMEM((SUB, W), jnp.float32)] * 2,
            [pltpu.VMEM((SUB, W), jnp.float32)] * 2,
            pltpu.VMEM((SUB, W), jnp.float32),
            pltpu.VMEM((ZO, W), jnp.float32),
            pltpu.VMEM_SHARED((chunk + 8, W), jnp.float32),
            [pltpu.SemaphoreType.DMA] * 2,
            [pltpu.SemaphoreType.DMA] * 2,
        ],
    )
    def sc_scatter(xkjd, sbfe, idxkj, idxji, out,
                   ji_buf, kj_buf, dst_list, t_list,
                   dst_stage, kj_stage, t_stage, rows_a, rows_b, prod,
                   zo, acc, sem_a, sem_b):
        c = lax.axis_index("c")
        s = lax.axis_index("s")

        def chunk_body(k, _):
            lo = (c * cpc + k) * chunk

            def zfill(i, _):
                zo[i // 8, pl.ds((i % 8) * 16, 16)] = jnp.zeros((16,),
                                                               jnp.float32)
                return 0
            lax.fori_loop(0, ZO * 8, zfill, 0)

            def zacc(i, _):
                pltpu.sync_copy(zo, acc.at[pl.ds(s * rps + i * ZO, ZO)])
                return 0
            lax.fori_loop(0, rps // ZO, zacc, 0)
            plsc.subcore_barrier()

            def batch_body(b, _):
                base = s * slice_t + b * sb
                pltpu.sync_copy(idxji.at[pl.ds(base, sb)], ji_buf)
                pltpu.sync_copy(idxkj.at[pl.ds(base, sb)], kj_buf)

                def scan_body(i, cnt):
                    lov = jnp.full((16,), lo, jnp.int32)
                    for u in range(5):
                        v = i * 5 + u
                        ji = ji_buf[pl.ds(v * 16, 16)]
                        m = (ji >= lov) & (ji < lov + chunk)
                        mi = m.astype(jnp.int32)
                        pos = plsc.cumsum(mi) + jnp.full((16,), cnt - 1,
                                                         jnp.int32)
                        tg = lax.iota(jnp.int32, 16) + jnp.full(
                            (16,), base + v * 16, jnp.int32)
                        plsc.store_scatter(dst_list, [pos], ji - lov, mask=m)
                        plsc.store_scatter(t_list, [pos], tg, mask=m)
                        cnt = cnt + plsc.all_reduce_population_count(m)[0]
                    return cnt
                cnt = lax.fori_loop(0, sb // 80, scan_body, jnp.int32(0))

                for w in range(SUB // 16):
                    sl = pl.ds(cnt + w * 16, 16)
                    dst_list[sl] = jnp.full((16,), chunk, jnp.int32)
                    t_list[sl] = jnp.full((16,), base, jnp.int32)
                nsb = (cnt + SUB - 1) // SUB
                basev = jnp.full((16,), base, jnp.int32)

                def gstage(j, u):
                    off = j * SUB
                    for w in range(SUB // 16):
                        sl = pl.ds(w * 16, 16)
                        tg = t_list[pl.ds(off + w * 16, 16)]
                        dst_stage[u][sl] = dst_list[pl.ds(off + w * 16, 16)]
                        t_stage[u][sl] = tg
                        kj_stage[u][sl] = plsc.load_gather(kj_buf,
                                                           [tg - basev])
                    pltpu.async_copy(xkjd.at[kj_stage[u]], rows_a[u],
                                     sem_a[u])
                    pltpu.async_copy(sbfe.at[t_stage[u]], rows_b[u],
                                     sem_b[u])

                def consume(u):
                    pltpu.make_async_copy(xkjd.at[kj_stage[u]], rows_a[u],
                                          sem_a[u]).wait()
                    pltpu.make_async_copy(sbfe.at[t_stage[u]], rows_b[u],
                                          sem_b[u]).wait()

                    def mul(r, _):
                        for q in range(W // 16):
                            sl = pl.ds(q * 16, 16)
                            prod[r, sl] = rows_a[u][r, sl] * rows_b[u][r, sl]
                        return 0
                    lax.fori_loop(0, SUB, mul, 0)
                    pltpu.sync_copy(prod, acc.at[dst_stage[u]], add=True)

                @pl.when(nsb > 0)
                def _():
                    gstage(jnp.int32(0), 0)

                def drain_pair(p, _):
                    j0 = p * 2
                    j1 = j0 + 1

                    @pl.when(j1 < nsb)
                    def _():
                        gstage(j1, 1)

                    @pl.when(j0 < nsb)
                    def _():
                        consume(0)

                    @pl.when(j0 + 2 < nsb)
                    def _():
                        gstage(j0 + 2, 0)

                    @pl.when(j1 < nsb)
                    def _():
                        consume(1)
                    return 0
                lax.fori_loop(0, (nsb + 1) // 2, drain_pair, 0)
                return 0
            lax.fori_loop(0, nb_scan, batch_body, 0)
            plsc.subcore_barrier()

            def wout(i, _):
                r0 = s * rps + i * ZO
                pltpu.sync_copy(acc.at[pl.ds(r0, ZO)], zo)
                pltpu.sync_copy(zo, out.at[pl.ds(lo + r0, ZO)])
                return 0
            lax.fori_loop(0, rps // ZO, wout, 0)
            plsc.subcore_barrier()
            return 0
        lax.fori_loop(0, cpc, chunk_body, 0)

    return sc_scatter


def _tail_body(x_ref, spe_ref, alpha_ref, w_ji, b_ji, w_up,
               rb1_w1, rb1_b1, rb1_w2, rb1_b2, w_lin, b_lin,
               ra1_w1, ra1_b1, ra1_w2, ra1_b2, o_ref):
    x = x_ref[...]
    x_ji = _silu(jnp.dot(x, w_ji[...], preferred_element_type=jnp.float32)
                 + b_ji[...])
    spe = spe_ref[...][:, :D] * alpha_ref[0, 0]
    x_up = _silu(jnp.dot(spe, w_up[...], preferred_element_type=jnp.float32))
    h = x_ji + x_up
    h1 = _silu(jnp.dot(h, rb1_w1[...], preferred_element_type=jnp.float32)
               + rb1_b1[...])
    h = h + _silu(jnp.dot(h1, rb1_w2[...], preferred_element_type=jnp.float32)
                  + rb1_b2[...])
    h = _silu(jnp.dot(h, w_lin[...], preferred_element_type=jnp.float32)
              + b_lin[...]) + x
    h2 = _silu(jnp.dot(h, ra1_w1[...], preferred_element_type=jnp.float32)
               + ra1_b1[...])
    o_ref[...] = h + _silu(jnp.dot(h2, ra1_w2[...],
                                   preferred_element_type=jnp.float32)
                           + ra1_b2[...])


def _tail(x, spe, alpha_arr, w_ji, b_ji, w_up, rb1_w1, rb1_b1, rb1_w2, rb1_b2,
          w_lin, b_lin, ra1_w1, ra1_b1, ra1_w2, ra1_b2):
    e = x.shape[0]
    grid = e // BLK_E
    full = lambda *shape: pl.BlockSpec(shape, lambda i: (0,) * len(shape))
    return pl.pallas_call(
        _tail_body,
        grid=(grid,),
        in_specs=[
            pl.BlockSpec((BLK_E, H), lambda i: (i, 0)),
            pl.BlockSpec((BLK_E, W), lambda i: (i, 0)),
            full(1, 1),
            full(H, H), full(1, H), full(D, H),
            full(H, H), full(1, H), full(H, H), full(1, H),
            full(H, H), full(1, H),
            full(H, H), full(1, H), full(H, H), full(1, H),
        ],
        out_specs=pl.BlockSpec((BLK_E, H), lambda i: (i, 0)),
        out_shape=jax.ShapeDtypeStruct((e, H), jnp.float32),
    )(x, spe, alpha_arr, w_ji, b_ji, w_up, rb1_w1, rb1_b1, rb1_w2, rb1_b2,
      w_lin, b_lin, ra1_w1, ra1_b1, ra1_w2, ra1_b2)


def kernel(x, rbf, sbf, idx_kj, idx_ji, bt, lambda_d, alpha,
           w_rbf1, w_rbf2, w_sbf1, w_sbf2, w_kj, b_kj, w_ji, b_ji,
           w_down, w_up, rb1_w1, rb1_b1, rb1_w2, rb1_b2,
           w_lin, b_lin, ra1_w1, ra1_b1, ra1_w2, ra1_b2):
    e = x.shape[0]
    t = sbf.shape[0]

    xkjd = _edge_down(x, rbf, w_rbf1, w_rbf2, w_kj,
                      b_kj.reshape(1, H), w_down)
    sbfe = _sbf_emb(sbf, w_sbf1, w_sbf2)

    sc_scatter = _make_sc_scatter(e, t)
    spe = sc_scatter(xkjd, sbfe,
                     idx_kj.astype(jnp.int32), idx_ji.astype(jnp.int32))

    alpha_arr = jnp.asarray(alpha, jnp.float32).reshape(1, 1)
    return _tail(x, spe, alpha_arr, w_ji, b_ji.reshape(1, H), w_up,
                 rb1_w1, rb1_b1.reshape(1, H), rb1_w2, rb1_b2.reshape(1, H),
                 w_lin, b_lin.reshape(1, H),
                 ra1_w1, ra1_b1.reshape(1, H), ra1_w2, ra1_b2.reshape(1, H))

# --- scband reference (transcript-rebuilt; emitter-appended) ---
"""Pipeline reference for scband-interaction-ppblock-swm-32384053412126 (READ-ONLY COPY).

The authoritative reference and input builder live on the scoring server;
editing this copy changes nothing except your own understanding.
"""

import jax, jax.numpy as jnp
import numpy as np

E = 320000  # number of directed edges (rows of x)
T = 640000  # number of triplets
H = 128     # hidden_channels
INT = 64    # int_emb_size
BAS = 8     # basis_emb_size
NR = 6      # num_radial
SR = 7 * 6  # num_spherical * num_radial = 42
NB = 2      # number of bond types

act = jax.nn.silu


def setup_inputs(seed: int = 0) -> dict:
    key = jax.random.key(seed)
    ks = jax.random.split(key, 32)
    s = 0.08
    inp = {}
    inp['x'] = jax.random.normal(ks[0], (E, H), jnp.float32)
    inp['rbf'] = jax.random.normal(ks[1], (E, NR), jnp.float32)
    inp['sbf'] = jax.random.normal(ks[2], (T, SR), jnp.float32)
    inp['idx_kj'] = jax.random.randint(ks[3], (T,), 0, E)
    inp['idx_ji'] = jax.random.randint(ks[4], (T,), 0, E)
    inp['bt'] = jax.random.randint(ks[5], (E,), 0, NB)
    inp['lambda_d'] = jax.random.uniform(ks[6], (NB,), jnp.float32)
    inp['alpha'] = 1  # scalar int; `alpha if bt is not None else 1.0` -> alpha == 1
    # learned parameters (stored as [in, out]; torch Linear does x @ W.T + b)
    inp['w_rbf1'] = jax.random.normal(ks[7], (NR, BAS), jnp.float32) * s
    inp['w_rbf2'] = jax.random.normal(ks[8], (BAS, H), jnp.float32) * s
    inp['w_sbf1'] = jax.random.normal(ks[9], (SR, BAS), jnp.float32) * s
    inp['w_sbf2'] = jax.random.normal(ks[10], (BAS, INT), jnp.float32) * s
    inp['w_kj'] = jax.random.normal(ks[11], (H, H), jnp.float32) * s
    inp['b_kj'] = jnp.zeros((H,), jnp.float32)
    inp['w_ji'] = jax.random.normal(ks[12], (H, H), jnp.float32) * s
    inp['b_ji'] = jnp.zeros((H,), jnp.float32)
    inp['w_down'] = jax.random.normal(ks[13], (H, INT), jnp.float32) * s
    inp['w_up'] = jax.random.normal(ks[14], (INT, H), jnp.float32) * s
    # one residual layer before skip (num_before_skip=1)
    inp['rb1_w1'] = jax.random.normal(ks[15], (H, H), jnp.float32) * s
    inp['rb1_b1'] = jnp.zeros((H,), jnp.float32)
    inp['rb1_w2'] = jax.random.normal(ks[16], (H, H), jnp.float32) * s
    inp['rb1_b2'] = jnp.zeros((H,), jnp.float32)
    inp['w_lin'] = jax.random.normal(ks[17], (H, H), jnp.float32) * s
    inp['b_lin'] = jnp.zeros((H,), jnp.float32)
    # NOTE: original code builds layers_after_skip with range(num_before_skip) -> 1 layer
    inp['ra1_w1'] = jax.random.normal(ks[18], (H, H), jnp.float32) * s
    inp['ra1_b1'] = jnp.zeros((H,), jnp.float32)
    inp['ra1_w2'] = jax.random.normal(ks[19], (H, H), jnp.float32) * s
    inp['ra1_b2'] = jnp.zeros((H,), jnp.float32)
    return inp


def reference(x, rbf, sbf, idx_kj, idx_ji, bt, lambda_d, alpha,
              w_rbf1, w_rbf2, w_sbf1, w_sbf2, w_kj, b_kj, w_ji, b_ji,
              w_down, w_up, rb1_w1, rb1_b1, rb1_w2, rb1_b2,
              w_lin, b_lin, ra1_w1, ra1_b1, ra1_w2, ra1_b2):
    n_edge = x.shape[0]
    x_ji = act(x @ w_ji + b_ji)
    x_kj = act(x @ w_kj + b_kj)
    rbf_e = (rbf @ w_rbf1) @ w_rbf2
    x_kj = x_kj * rbf_e
    x_kj = act(x_kj @ w_down)
    sbf_e = (sbf @ w_sbf1) @ w_sbf2
    # SparseCore-style gather over triplets
    x_kj = jnp.take(x_kj, idx_kj, axis=0) * sbf_e
    # SparseCore-style scatter-add (segment sum) back to edges
    x_kj_spe = alpha * jax.ops.segment_sum(x_kj, idx_ji, num_segments=n_edge)
    # bt-branch: in the original code each per-bond-type scatter `out` is zeroed
    # via the `out[None] = 0` bug (list.sort() returns None), and with alpha == 1
    # the (1 - alpha) factor is 0, so the branch contributes exactly zero.
    x_kj_spe = x_kj_spe + (1 - alpha) * jnp.zeros_like(x_kj_spe)
    x_up = act(x_kj_spe @ w_up)
    h = x_ji + x_up
    # residual layer before skip
    h = h + act(act(h @ rb1_w1 + rb1_b1) @ rb1_w2 + rb1_b2)
    h = act(h @ w_lin + b_lin) + x
    # residual layer after skip
    h = h + act(act(h @ ra1_w1 + ra1_b1) @ ra1_w2 + ra1_b2)
    return h


if False:  # reference __main__ guard neutralized (emitter)
    out = reference(**setup_inputs())
    print(out.shape, out.dtype)

if __name__ == "__main__":
    import jax
    _d = setup_inputs()
    print(jax.jit(kernel)(*tuple(_d.values())))

</pallas_src>

<mosaic_0001>
#map = affine_map<(d0, d1) -> (0, 0)>
#map1 = affine_map<(d0, d1) -> (0)>
module attributes {stable_mosaic.version = 14 : i64} {
  func.func @sc_scatter(%arg0: i32, %arg1: i32, %arg2: memref<320000x128xf32, #tpu.memory_space<hbm>>, %arg3: memref<640000x128xf32, #tpu.memory_space<hbm>>, %arg4: memref<640000xi32, #tpu.memory_space<hbm>>, %arg5: memref<640000xi32, #tpu.memory_space<hbm>>, %arg6: memref<320000x128xf32, #tpu.memory_space<hbm>>, %arg7: memref<4000xi32, #tpu.memory_space<vmem>>, %arg8: memref<4000xi32, #tpu.memory_space<vmem>>, %arg9: memref<4064xi32, #tpu.memory_space<vmem>>, %arg10: memref<4064xi32, #tpu.memory_space<vmem>>, %arg11: memref<32xi32, #tpu.memory_space<vmem>>, %arg12: memref<32xi32, #tpu.memory_space<vmem>>, %arg13: memref<32xi32, #tpu.memory_space<vmem>>, %arg14: memref<32xi32, #tpu.memory_space<vmem>>, %arg15: memref<32xi32, #tpu.memory_space<vmem>>, %arg16: memref<32xi32, #tpu.memory_space<vmem>>, %arg17: memref<32x128xf32, #tpu.memory_space<vmem>>, %arg18: memref<32x128xf32, #tpu.memory_space<vmem>>, %arg19: memref<32x128xf32, #tpu.memory_space<vmem>>, %arg20: memref<32x128xf32, #tpu.memory_space<vmem>>, %arg21: memref<32x128xf32, #tpu.memory_space<vmem>>, %arg22: memref<40x128xf32, #tpu.memory_space<vmem>>, %arg23: memref<6408x128xf32, #tpu.memory_space<vmem_shared>>, %arg24: memref<!tpu.dma_semaphore, #tpu.memory_space<semaphore_mem>>, %arg25: memref<!tpu.dma_semaphore, #tpu.memory_space<semaphore_mem>>, %arg26: memref<!tpu.dma_semaphore, #tpu.memory_space<semaphore_mem>>, %arg27: memref<!tpu.dma_semaphore, #tpu.memory_space<semaphore_mem>>) attributes {dimension_semantics = [#tpu.dimension_semantics<core_parallel>, #tpu.dimension_semantics<subcore_parallel>], iteration_bounds = array<i64: 2, 16>, scalar_prefetch = 0 : i64, scratch_operands = 21 : i64, tpu.core_type = #tpu.core_type<sc_vector_subcore>, window_params = [{transform_indices = #map}, {transform_indices = #map}, {transform_indices = #map1}, {transform_indices = #map1}, {transform_indices = #map}]} {
    %scan3A = arith.constant 0 : i32
    %scan3A_0 = arith.constant 0 : i32
    %scan3A_1 = arith.constant 25 : i32
    %scan3A_2 = arith.addi %scan3A_0, %scan3A_1 : i32
    %scan3A_3 = arith.constant 1 : i32
    %scan3A_4 = scf.for %scan3A_6 = %scan3A_0 to %scan3A_2 step %scan3A_3 iter_args(%scan3A_7 = %scan3A) -> (i32)  : i32 {
      %mul3A = arith.constant 25 : i32
      %mul3A_8 = arith.muli %arg0, %mul3A : i32
      %add3A = arith.addi %mul3A_8, %scan3A_6 : i32
      %mul3A_9 = arith.constant 6400 : i32
      %mul3A_10 = arith.muli %add3A, %mul3A_9 : i32
      %scan3A_11 = arith.constant 0 : i32
      %scan3A_12 = arith.constant 0 : i32
      %scan3A_13 = arith.constant 320 : i32
      %scan3A_14 = arith.addi %scan3A_12, %scan3A_13 : i32
      %scan3A_15 = arith.constant 1 : i32
      %scan3A_16 = scf.for %scan3A_42 = %scan3A_12 to %scan3A_14 step %scan3A_15 iter_args(%scan3A_43 = %scan3A_11) -> (i32)  : i32 {
        %broadcast_in_dim3A = arith.constant 0.000000e+00 : f32
        %broadcast_in_dim3A_44 = vector.broadcast %broadcast_in_dim3A : f32 to vector<16xf32>
        %jit3A = arith.constant 8 : i32
        %div3A = arith.divsi %scan3A_42, %jit3A : i32
        %sign3A = arith.constant 0 : i32
        %sign3A_45 = arith.cmpi sgt, %scan3A_42, %sign3A : i32
        %sign3A_46 = arith.extui %sign3A_45 : i1 to i32
        %sign3A_47 = arith.constant 0 : i32
        %sign3A_48 = arith.cmpi slt, %scan3A_42, %sign3A_47 : i32
        %sign3A_49 = arith.extui %sign3A_48 : i1 to i32
        %sign3A_50 = arith.subi %sign3A_46, %sign3A_49 : i32
        %sign3A_51 = arith.constant 0 : i32
        %sign3A_52 = arith.cmpi sgt, %jit3A, %sign3A_51 : i32
        %sign3A_53 = arith.extui %sign3A_52 : i1 to i32
        %sign3A_54 = arith.constant 0 : i32
        %sign3A_55 = arith.cmpi slt, %jit3A, %sign3A_54 : i32
        %sign3A_56 = arith.extui %sign3A_55 : i1 to i32
        %sign3A_57 = arith.subi %sign3A_53, %sign3A_56 : i32
        %ne3A = arith.cmpi ne, %sign3A_50, %sign3A_57 : i32
        %rem3A = arith.remsi %scan3A_42, %jit3A : i32
        %ne3A_58 = arith.constant 0 : i32
        %ne3A_59 = arith.cmpi ne, %rem3A, %ne3A_58 : i32
        %and3A = arith.andi %ne3A, %ne3A_59 : i1
        %sub3A = arith.constant 1 : i32
        %sub3A_60 = arith.subi %div3A, %sub3A : i32
        %select_n3A = arith.select %and3A, %sub3A_60, %div3A : i32
        %jit3A_61 = arith.constant 8 : i32
        %eq3A = arith.constant 0 : i32
        %eq3A_62 = arith.cmpi eq, %jit3A_61, %eq3A : i32
        %jit3A_63 = arith.constant 1 : i32
        %select_n3A_64 = arith.select %eq3A_62, %jit3A_63, %jit3A_61 : i32
        %rem3A_65 = arith.remsi %scan3A_42, %select_n3A_64 : i32
        %ne3A_66 = arith.constant 0 : i32
        %ne3A_67 = arith.cmpi ne, %rem3A_65, %ne3A_66 : i32
        %lt3A = arith.constant 0 : i32
        %lt3A_68 = arith.cmpi slt, %rem3A_65, %lt3A : i32
        %lt3A_69 = arith.constant 0 : i32
        %lt3A_70 = arith.cmpi slt, %select_n3A_64, %lt3A_69 : i32
        %ne3A_71 = arith.xori %lt3A_68, %lt3A_70 : i1
        %and3A_72 = arith.andi %ne3A_71, %ne3A_67 : i1
        %add3A_73 = arith.addi %rem3A_65, %select_n3A_64 : i32
        %select_n3A_74 = arith.select %and3A_72, %add3A_73, %rem3A_65 : i32
        %mul3A_75 = arith.constant 16 : i32
        %mul3A_76 = arith.muli %select_n3A_74, %mul3A_75 : i32
        %swap3A = arith.index_cast %select_n3A : i32 to index
        %swap3A_77 = arith.index_cast %mul3A_76 : i32 to index
        %swap3A_78 = tpu.vector_load %arg22[%swap3A, %swap3A_77] {strides = array<i32>} : memref<40x128xf32, #tpu.memory_space<vmem>>, vector<16xf32>,
        tpu.vector_store %arg22[%swap3A, %swap3A_77], %broadcast_in_dim3A_44 {strides = array<i32>} : memref<40x128xf32, #tpu.memory_space<vmem>>, vector<16xf32>,
        %scan3A_79 = arith.constant 0 : i32
        scf.yield %scan3A_79 : i32
      }
      %scan3A_17 = arith.constant 320 : i32
      %scan3A_18 = arith.constant 0 : i32
      %scan3A_19 = arith.constant 0 : i32
      %scan3A_20 = arith.constant 10 : i32
      %scan3A_21 = arith.addi %scan3A_19, %scan3A_20 : i32
      %scan3A_22 = arith.constant 1 : i32
      %scan3A_23 = scf.for %scan3A_42 = %scan3A_19 to %scan3A_21 step %scan3A_22 iter_args(%scan3A_43 = %scan3A_18) -> (i32)  : i32 {
        %mul3A_44 = arith.constant 400 : i32
        %mul3A_45 = arith.muli %arg1, %mul3A_44 : i32
        %mul3A_46 = arith.constant 40 : i32
        %mul3A_47 = arith.muli %scan3A_42, %mul3A_46 : i32
        %add3A_48 = arith.addi %mul3A_45, %mul3A_47 : i32
        "tpu.region"() ({
          %run_scoped3A = tpu.sem_alloc : memref<!tpu.dma_semaphore, #tpu.memory_space<semaphore_mem>>
          %dma_start3A = arith.constant 0 : i32
          %dma_start3A_50 = tpu.memref_slice %arg23[%add3A_48, %dma_start3A] : memref<6408x128xf32, #tpu.memory_space<vmem_shared>> -> memref<40x128xf32, #tpu.memory_space<vmem_shared>>
          %dma_start3A_51 = arith.constant 0 : i32
          %dma_start3A_52 = tpu.memref_slice %arg23[%add3A_48, %dma_start3A_51] : memref<6408x128xf32, #tpu.memory_space<vmem_shared>> -> memref<40x128xf32, #tpu.memory_space<vmem_shared>>
          tpu.enqueue_dma source(%arg22 : memref<40x128xf32, #tpu.memory_space<vmem>>) target(%dma_start3A_52 : memref<40x128xf32, #tpu.memory_space<vmem_shared>>) target_semaphore(%run_scoped3A : memref<!tpu.dma_semaphore, #tpu.memory_space<semaphore_mem>>)
          %dma_wait3A = arith.constant 0 : i32
          %dma_wait3A_53 = tpu.memref_slice %arg23[%add3A_48, %dma_wait3A] : memref<6408x128xf32, #tpu.memory_space<vmem_shared>> -> memref<40x128xf32, #tpu.memory_space<vmem_shared>>
          %dma_wait3A_54 = arith.constant 0 : i32
          %dma_wait3A_55 = tpu.memref_slice %arg23[%add3A_48, %dma_wait3A_54] : memref<6408x128xf32, #tpu.memory_space<vmem_shared>> -> memref<40x128xf32, #tpu.memory_space<vmem_shared>>
          tpu.wait_dma2 semaphore(%run_scoped3A : memref<!tpu.dma_semaphore, #tpu.memory_space<semaphore_mem>>) src(%arg22 : memref<40x128xf32, #tpu.memory_space<vmem>>) dst(%dma_wait3A_55 : memref<40x128xf32, #tpu.memory_space<vmem_shared>>)
          tpu.yield
        }) : () -> ()
        %scan3A_49 = arith.constant 0 : i32
        scf.yield %scan3A_49 : i32
      }
      %scan3A_24 = arith.constant 10 : i32
      %barrier3A = arith.constant 0 : index
      tpu.barrier barrier_id(%barrier3A)
      %scan3A_25 = arith.constant 0 : i32
      %scan3A_26 = arith.constant 0 : i32
      %scan3A_27 = arith.constant 10 : i32
      %scan3A_28 = arith.addi %scan3A_26, %scan3A_27 : i32
      %scan3A_29 = arith.constant 1 : i32
      %scan3A_30 = scf.for %scan3A_42 = %scan3A_26 to %scan3A_28 step %scan3A_29 iter_args(%scan3A_43 = %scan3A_25) -> (i32)  : i32 {
        %mul3A_44 = arith.constant 40000 : i32
        %mul3A_45 = arith.muli %arg1, %mul3A_44 : i32
        %mul3A_46 = arith.constant 4000 : i32
        %mul3A_47 = arith.muli %scan3A_42, %mul3A_46 : i32
        %add3A_48 = arith.addi %mul3A_45, %mul3A_47 : i32
        "tpu.region"() ({
          %run_scoped3A = tpu.sem_alloc : memref<!tpu.dma_semaphore, #tpu.memory_space<semaphore_mem>>
          %dma_start3A = tpu.memref_slice %arg5[%add3A_48] : memref<640000xi32, #tpu.memory_space<hbm>> -> memref<4000xi32, #tpu.memory_space<hbm>>
          %dma_start3A_133 = tpu.memref_slice %arg5[%add3A_48] : memref<640000xi32, #tpu.memory_space<hbm>> -> memref<4000xi32, #tpu.memory_space<hbm>>
          tpu.enqueue_dma source(%dma_start3A_133 : memref<4000xi32, #tpu.memory_space<hbm>>) target(%arg7 : memref<4000xi32, #tpu.memory_space<vmem>>) target_semaphore(%run_scoped3A : memref<!tpu.dma_semaphore, #tpu.memory_space<semaphore_mem>>)
          %dma_wait3A = tpu.memref_slice %arg5[%add3A_48] : memref<640000xi32, #tpu.memory_space<hbm>> -> memref<4000xi32, #tpu.memory_space<hbm>>
          %dma_wait3A_134 = tpu.memref_slice %arg5[%add3A_48] : memref<640000xi32, #tpu.memory_space<hbm>> -> memref<4000xi32, #tpu.memory_space<hbm>>
          tpu.wait_dma2 semaphore(%run_scoped3A : memref<!tpu.dma_semaphore, #tpu.memory_space<semaphore_mem>>) src(%dma_wait3A_134 : memref<4000xi32, #tpu.memory_space<hbm>>) dst(%arg7 : memref<4000xi32, #tpu.memory_space<vmem>>)
          tpu.yield
        }) : () -> ()
        "tpu.region"() ({
          %run_scoped3A = tpu.sem_alloc : memref<!tpu.dma_semaphore, #tpu.memory_space<semaphore_mem>>
          %dma_start3A = tpu.memref_slice %arg4[%add3A_48] : memref<640000xi32, #tpu.memory_space<hbm>> -> memref<4000xi32, #tpu.memory_space<hbm>>
          %dma_start3A_133 = tpu.memref_slice %arg4[%add3A_48] : memref<640000xi32, #tpu.memory_space<hbm>> -> memref<4000xi32, #tpu.memory_space<hbm>>
          tpu.enqueue_dma source(%dma_start3A_133 : memref<4000xi32, #tpu.memory_space<hbm>>) target(%arg8 : memref<4000xi32, #tpu.memory_space<vmem>>) target_semaphore(%run_scoped3A : memref<!tpu.dma_semaphore, #tpu.memory_space<semaphore_mem>>)
          %dma_wait3A = tpu.memref_slice %arg4[%add3A_48] : memref<640000xi32, #tpu.memory_space<hbm>> -> memref<4000xi32, #tpu.memory_space<hbm>>
          %dma_wait3A_134 = tpu.memref_slice %arg4[%add3A_48] : memref<640000xi32, #tpu.memory_space<hbm>> -> memref<4000xi32, #tpu.memory_space<hbm>>
          tpu.wait_dma2 semaphore(%run_scoped3A : memref<!tpu.dma_semaphore, #tpu.memory_space<semaphore_mem>>) src(%dma_wait3A_134 : memref<4000xi32, #tpu.memory_space<hbm>>) dst(%arg8 : memref<4000xi32, #tpu.memory_space<vmem>>)
          tpu.yield
        }) : () -> ()
        %scan3A_49 = arith.constant 0 : i32
        %scan3A_50 = arith.constant 0 : i32
        %scan3A_51 = arith.constant 50 : i32
        %scan3A_52 = arith.addi %scan3A_50, %scan3A_51 : i32
        %scan3A_53 = arith.constant 1 : i32
        %scan3A_54 = scf.for %scan3A_133 = %scan3A_50 to %scan3A_52 step %scan3A_53 iter_args(%scan3A_134 = %scan3A_49) -> (i32)  : i32 {
          %broadcast_in_dim3A_135 = vector.broadcast %mul3A_10 : i32 to vector<16xi32>
          %mul3A_136 = arith.constant 5 : i32
          %mul3A_137 = arith.muli %scan3A_133, %mul3A_136 : i32
          %add3A_138 = arith.constant 0 : i32
          %add3A_139 = arith.addi %mul3A_137, %add3A_138 : i32
          %mul3A_140 = arith.constant 16 : i32
          %mul3A_141 = arith.muli %add3A_139, %mul3A_140 : i32
          %get3A = arith.index_cast %mul3A_141 : i32 to index
          %get3A_142 = tpu.vector_load %arg7[%get3A] {strides = array<i32>} : memref<4000xi32, #tpu.memory_space<vmem>>, vector<16xi32>,
          %ge3A = arith.cmpi sge, %get3A_142, %broadcast_in_dim3A_135 : vector<16xi32>
          %add3A_143 = arith.constant 6400 : i32
          %add3A_144 = vector.broadcast %add3A_143 : i32 to vector<16xi32>
          %add3A_145 = arith.addi %broadcast_in_dim3A_135, %add3A_144 : vector<16xi32>
          %lt3A = arith.cmpi slt, %get3A_142, %add3A_145 : vector<16xi32>
          %and3A_146 = arith.andi %ge3A, %lt3A : vector<16xi1>
          %convert_element_type3A_147 = arith.extui %and3A_146 : vector<16xi1> to vector<16xi32>
          %broadcast_in_dim3A_148 = arith.constant true
          %broadcast_in_dim3A_149 = vector.broadcast %broadcast_in_dim3A_148 : i1 to vector<16xi1>
          %masked_cumsum3A = tpu.scan <sum>, %convert_element_type3A_147 masked %broadcast_in_dim3A_149 : vector<16xi32>, vector<16xi1> -> vector<16xi32>
          %sub3A_150 = arith.constant 1 : i32
          %sub3A_151 = arith.subi %scan3A_134, %sub3A_150 : i32
          %broadcast_in_dim3A_152 = vector.broadcast %sub3A_151 : i32 to vector<16xi32>
          %add3A_153 = arith.addi %masked_cumsum3A, %broadcast_in_dim3A_152 : vector<16xi32>
          %iota3A = tpu.iota {dimensions = array<i32: 0>} : vector<16xi32>
          %mul3A_154 = arith.constant 16 : i32
          %mul3A_155 = arith.muli %add3A_139, %mul3A_154 : i32
          %add3A_156 = arith.addi %add3A_48, %mul3A_155 : i32
          %broadcast_in_dim3A_157 = vector.broadcast %add3A_156 : i32 to vector<16xi32>
          %add3A_158 = arith.addi %iota3A, %broadcast_in_dim3A_157 : vector<16xi32>
          %sub3A_159 = arith.subi %get3A_142, %broadcast_in_dim3A_135 : vector<16xi32>
          tpu.vector_store_idx %arg9[%add3A_153], %sub3A_159 masked %and3A_146 : memref<4064xi32, #tpu.memory_space<vmem>>[vector<16xi32>], vector<16xi32>, vector<16xi1>
          tpu.vector_store_idx %arg10[%add3A_153], %add3A_158 masked %and3A_146 : memref<4064xi32, #tpu.memory_space<vmem>>[vector<16xi32>], vector<16xi32>, vector<16xi1>
          %all_reduce_population_count3A = tpu.all_reduce %and3A_146 {dim = 0 : i64, kind = #tpu.reduction_kind<sum>} : vector<16xi1> -> vector<16xi32>
          %slice3A = vector.extract_strided_slice %all_reduce_population_count3A {offsets = [0], sizes = [1], strides = [1]} : vector<16xi32> to vector<1xi32>
          %squeeze3A = vector.extract %slice3A[0] : i32 from vector<1xi32>
          %add3A_160 = arith.addi %scan3A_134, %squeeze3A : i32
          %mul3A_161 = arith.constant 5 : i32
          %mul3A_162 = arith.muli %scan3A_133, %mul3A_161 : i32
          %add3A_163 = arith.constant 1 : i32
          %add3A_164 = arith.addi %mul3A_162, %add3A_163 : i32
          %mul3A_165 = arith.constant 16 : i32
          %mul3A_166 = arith.muli %add3A_164, %mul3A_165 : i32
          %get3A_167 = arith.index_cast %mul3A_166 : i32 to index
          %get3A_168 = tpu.vector_load %arg7[%get3A_167] {strides = array<i32>} : memref<4000xi32, #tpu.memory_space<vmem>>, vector<16xi32>,
          %ge3A_169 = arith.cmpi sge, %get3A_168, %broadcast_in_dim3A_135 : vector<16xi32>
          %add3A_170 = arith.constant 6400 : i32
          %add3A_171 = vector.broadcast %add3A_170 : i32 to vector<16xi32>
          %add3A_172 = arith.addi %broadcast_in_dim3A_135, %add3A_171 : vector<16xi32>
          %lt3A_173 = arith.cmpi slt, %get3A_168, %add3A_172 : vector<16xi32>
          %and3A_174 = arith.andi %ge3A_169, %lt3A_173 : vector<16xi1>
          %convert_element_type3A_175 = arith.extui %and3A_174 : vector<16xi1> to vector<16xi32>
          %broadcast_in_dim3A_176 = arith.constant true
          %broadcast_in_dim3A_177 = vector.broadcast %broadcast_in_dim3A_176 : i1 to vector<16xi1>
          %masked_cumsum3A_178 = tpu.scan <sum>, %convert_element_type3A_175 masked %broadcast_in_dim3A_177 : vector<16xi32>, vector<16xi1> -> vector<16xi32>
          %sub3A_179 = arith.constant 1 : i32
          %sub3A_180 = arith.subi %add3A_160, %sub3A_179 : i32
          %broadcast_in_dim3A_181 = vector.broadcast %sub3A_180 : i32 to vector<16xi32>
          %add3A_182 = arith.addi %masked_cumsum3A_178, %broadcast_in_dim3A_181 : vector<16xi32>
          %iota3A_183 = tpu.iota {dimensions = array<i32: 0>} : vector<16xi32>
          %mul3A_184 = arith.constant 16 : i32
          %mul3A_185 = arith.muli %add3A_164, %mul3A_184 : i32
          %add3A_186 = arith.addi %add3A_48, %mul3A_185 : i32
          %broadcast_in_dim3A_187 = vector.broadcast %add3A_186 : i32 to vector<16xi32>
          %add3A_188 = arith.addi %iota3A_183, %broadcast_in_dim3A_187 : vector<16xi32>
          %sub3A_189 = arith.subi %get3A_168, %broadcast_in_dim3A_135 : vector<16xi32>
          tpu.vector_store_idx %arg9[%add3A_182], %sub3A_189 masked %and3A_174 : memref<4064xi32, #tpu.memory_space<vmem>>[vector<16xi32>], vector<16xi32>, vector<16xi1>
          tpu.vector_store_idx %arg10[%add3A_182], %add3A_188 masked %and3A_174 : memref<4064xi32, #tpu.memory_space<vmem>>[vector<16xi32>], vector<16xi32>, vector<16xi1>
          %all_reduce_population_count3A_190 = tpu.all_reduce %and3A_174 {dim = 0 : i64, kind = #tpu.reduction_kind<sum>} : vector<16xi1> -> vector<16xi32>
          %slice3A_191 = vector.extract_strided_slice %all_reduce_population_count3A_190 {offsets = [0], sizes = [1], strides = [1]} : vector<16xi32> to vector<1xi32>
          %squeeze3A_192 = vector.extract %slice3A_191[0] : i32 from vector<1xi32>
          %add3A_193 = arith.addi %add3A_160, %squeeze3A_192 : i32
          %mul3A_194 = arith.constant 5 : i32
          %mul3A_195 = arith.muli %scan3A_133, %mul3A_194 : i32
          %add3A_196 = arith.constant 2 : i32
          %add3A_197 = arith.addi %mul3A_195, %add3A_196 : i32
          %mul3A_198 = arith.constant 16 : i32
          %mul3A_199 = arith.muli %add3A_197, %mul3A_198 : i32
          %get3A_200 = arith.index_cast %mul3A_199 : i32 to index
          %get3A_201 = tpu.vector_load %arg7[%get3A_200] {strides = array<i32>} : memref<4000xi32, #tpu.memory_space<vmem>>, vector<16xi32>,
          %ge3A_202 = arith.cmpi sge, %get3A_201, %broadcast_in_dim3A_135 : vector<16xi32>
          %add3A_203 = arith.constant 6400 : i32
          %add3A_204 = vector.broadcast %add3A_203 : i32 to vector<16xi32>
          %add3A_205 = arith.addi %broadcast_in_dim3A_135, %add3A_204 : vector<16xi32>
          %lt3A_206 = arith.cmpi slt, %get3A_201, %add3A_205 : vector<16xi32>
          %and3A_207 = arith.andi %ge3A_202, %lt3A_206 : vector<16xi1>
          %convert_element_type3A_208 = arith.extui %and3A_207 : vector<16xi1> to vector<16xi32>
          %broadcast_in_dim3A_209 = arith.constant true
          %broadcast_in_dim3A_210 = vector.broadcast %broadcast_in_dim3A_209 : i1 to vector<16xi1>
          %masked_cumsum3A_211 = tpu.scan <sum>, %convert_element_type3A_208 masked %broadcast_in_dim3A_210 : vector<16xi32>, vector<16xi1> -> vector<16xi32>
          %sub3A_212 = arith.constant 1 : i32
          %sub3A_213 = arith.subi %add3A_193, %sub3A_212 : i32
          %broadcast_in_dim3A_214 = vector.broadcast %sub3A_213 : i32 to vector<16xi32>
          %add3A_215 = arith.addi %masked_cumsum3A_211, %broadcast_in_dim3A_214 : vector<16xi32>
          %iota3A_216 = tpu.iota {dimensions = array<i32: 0>} : vector<16xi32>
          %mul3A_217 = arith.constant 16 : i32
          %mul3A_218 = arith.muli %add3A_197, %mul3A_217 : i32
          %add3A_219 = arith.addi %add3A_48, %mul3A_218 : i32
          %broadcast_in_dim3A_220 = vector.broadcast %add3A_219 : i32 to vector<16xi32>
          %add3A_221 = arith.addi %iota3A_216, %broadcast_in_dim3A_220 : vector<16xi32>
          %sub3A_222 = arith.subi %get3A_201, %broadcast_in_dim3A_135 : vector<16xi32>
          tpu.vector_store_idx %arg9[%add3A_215], %sub3A_222 masked %and3A_207 : memref<4064xi32, #tpu.memory_space<vmem>>[vector<16xi32>], vector<16xi32>, vector<16xi1>
          tpu.vector_store_idx %arg10[%add3A_215], %add3A_221 masked %and3A_207 : memref<4064xi32, #tpu.memory_space<vmem>>[vector<16xi32>], vector<16xi32>, vector<16xi1>
          %all_reduce_population_count3A_223 = tpu.all_reduce %and3A_207 {dim = 0 : i64, kind = #tpu.reduction_kind<sum>} : vector<16xi1> -> vector<16xi32>
          %slice3A_224 = vector.extract_strided_slice %all_reduce_population_count3A_223 {offsets = [0], sizes = [1], strides = [1]} : vector<16xi32> to vector<1xi32>
          %squeeze3A_225 = vector.extract %slice3A_224[0] : i32 from vector<1xi32>
          %add3A_226 = arith.addi %add3A_193, %squeeze3A_225 : i32
          %mul3A_227 = arith.constant 5 : i32
          %mul3A_228 = arith.muli %scan3A_133, %mul3A_227 : i32
          %add3A_229 = arith.constant 3 : i32
          %add3A_230 = arith.addi %mul3A_228, %add3A_229 : i32
          %mul3A_231 = arith.constant 16 : i32
          %mul3A_232 = arith.muli %add3A_230, %mul3A_231 : i32
          %get3A_233 = arith.index_cast %mul3A_232 : i32 to index
          %get3A_234 = tpu.vector_load %arg7[%get3A_233] {strides = array<i32>} : memref<4000xi32, #tpu.memory_space<vmem>>, vector<16xi32>,
          %ge3A_235 = arith.cmpi sge, %get3A_234, %broadcast_in_dim3A_135 : vector<16xi32>
          %add3A_236 = arith.constant 6400 : i32
          %add3A_237 = vector.broadcast %add3A_236 : i32 to vector<16xi32>
          %add3A_238 = arith.addi %broadcast_in_dim3A_135, %add3A_237 : vector<16xi32>
          %lt3A_239 = arith.cmpi slt, %get3A_234, %add3A_238 : vector<16xi32>
          %and3A_240 = arith.andi %ge3A_235, %lt3A_239 : vector<16xi1>
          %convert_element_type3A_241 = arith.extui %and3A_240 : vector<16xi1> to vector<16xi32>
          %broadcast_in_dim3A_242 = arith.constant true
          %broadcast_in_dim3A_243 = vector.broadcast %broadcast_in_dim3A_242 : i1 to vector<16xi1>
          %masked_cumsum3A_244 = tpu.scan <sum>, %convert_element_type3A_241 masked %broadcast_in_dim3A_243 : vector<16xi32>, vector<16xi1> -> vector<16xi32>
          %sub3A_245 = arith.constant 1 : i32
          %sub3A_246 = arith.subi %add3A_226, %sub3A_245 : i32
          %broadcast_in_dim3A_247 = vector.broadcast %sub3A_246 : i32 to vector<16xi32>
          %add3A_248 = arith.addi %masked_cumsum3A_244, %broadcast_in_dim3A_247 : vector<16xi32>
          %iota3A_249 = tpu.iota {dimensions = array<i32: 0>} : vector<16xi32>
          %mul3A_250 = arith.constant 16 : i32
          %mul3A_251 = arith.muli %add3A_230, %mul3A_250 : i32
          %add3A_252 = arith.addi %add3A_48, %mul3A_251 : i32
          %broadcast_in_dim3A_253 = vector.broadcast %add3A_252 : i32 to vector<16xi32>
          %add3A_254 = arith.addi %iota3A_249, %broadcast_in_dim3A_253 : vector<16xi32>
          %sub3A_255 = arith.subi %get3A_234, %broadcast_in_dim3A_135 : vector<16xi32>
          tpu.vector_store_idx %arg9[%add3A_248], %sub3A_255 masked %and3A_240 : memref<4064xi32, #tpu.memory_space<vmem>>[vector<16xi32>], vector<16xi32>, vector<16xi1>
          tpu.vector_store_idx %arg10[%add3A_248], %add3A_254 masked %and3A_240 : memref<4064xi32, #tpu.memory_space<vmem>>[vector<16xi32>], vector<16xi32>, vector<16xi1>
          %all_reduce_population_count3A_256 = tpu.all_reduce %and3A_240 {dim = 0 : i64, kind = #tpu.reduction_kind<sum>} : vector<16xi1> -> vector<16xi32>
          %slice3A_257 = vector.extract_strided_slice %all_reduce_population_count3A_256 {offsets = [0], sizes = [1], strides = [1]} : vector<16xi32> to vector<1xi32>
          %squeeze3A_258 = vector.extract %slice3A_257[0] : i32 from vector<1xi32>
          %add3A_259 = arith.addi %add3A_226, %squeeze3A_258 : i32
          %mul3A_260 = arith.constant 5 : i32
          %mul3A_261 = arith.muli %scan3A_133, %mul3A_260 : i32
          %add3A_262 = arith.constant 4 : i32
          %add3A_263 = arith.addi %mul3A_261, %add3A_262 : i32
          %mul3A_264 = arith.constant 16 : i32
          %mul3A_265 = arith.muli %add3A_263, %mul3A_264 : i32
          %get3A_266 = arith.index_cast %mul3A_265 : i32 to index
          %get3A_267 = tpu.vector_load %arg7[%get3A_266] {strides = array<i32>} : memref<4000xi32, #tpu.memory_space<vmem>>, vector<16xi32>,
          %ge3A_268 = arith.cmpi sge, %get3A_267, %broadcast_in_dim3A_135 : vector<16xi32>
          %add3A_269 = arith.constant 6400 : i32
          %add3A_270 = vector.broadcast %add3A_269 : i32 to vector<16xi32>
          %add3A_271 = arith.addi %broadcast_in_dim3A_135, %add3A_270 : vector<16xi32>
          %lt3A_272 = arith.cmpi slt, %get3A_267, %add3A_271 : vector<16xi32>
          %and3A_273 = arith.andi %ge3A_268, %lt3A_272 : vector<16xi1>
          %convert_element_type3A_274 = arith.extui %and3A_273 : vector<16xi1> to vector<16xi32>
          %broadcast_in_dim3A_275 = arith.constant true
          %broadcast_in_dim3A_276 = vector.broadcast %broadcast_in_dim3A_275 : i1 to vector<16xi1>
          %masked_cumsum3A_277 = tpu.scan <sum>, %convert_element_type3A_274 masked %broadcast_in_dim3A_276 : vector<16xi32>, vector<16xi1> -> vector<16xi32>
          %sub3A_278 = arith.constant 1 : i32
          %sub3A_279 = arith.subi %add3A_259, %sub3A_278 : i32
          %broadcast_in_dim3A_280 = vector.broadcast %sub3A_279 : i32 to vector<16xi32>
          %add3A_281 = arith.addi %masked_cumsum3A_277, %broadcast_in_dim3A_280 : vector<16xi32>
          %iota3A_282 = tpu.iota {dimensions = array<i32: 0>} : vector<16xi32>
          %mul3A_283 = arith.constant 16 : i32
          %mul3A_284 = arith.muli %add3A_263, %mul3A_283 : i32
          %add3A_285 = arith.addi %add3A_48, %mul3A_284 : i32
          %broadcast_in_dim3A_286 = vector.broadcast %add3A_285 : i32 to vector<16xi32>
          %add3A_287 = arith.addi %iota3A_282, %broadcast_in_dim3A_286 : vector<16xi32>
          %sub3A_288 = arith.subi %get3A_267, %broadcast_in_dim3A_135 : vector<16xi32>
          tpu.vector_store_idx %arg9[%add3A_281], %sub3A_288 masked %and3A_273 : memref<4064xi32, #tpu.memory_space<vmem>>[vector<16xi32>], vector<16xi32>, vector<16xi1>
          tpu.vector_store_idx %arg10[%add3A_281], %add3A_287 masked %and3A_273 : memref<4064xi32, #tpu.memory_space<vmem>>[vector<16xi32>], vector<16xi32>, vector<16xi1>
          %all_reduce_population_count3A_289 = tpu.all_reduce %and3A_273 {dim = 0 : i64, kind = #tpu.reduction_kind<sum>} : vector<16xi1> -> vector<16xi32>
          %slice3A_290 = vector.extract_strided_slice %all_reduce_population_count3A_289 {offsets = [0], sizes = [1], strides = [1]} : vector<16xi32> to vector<1xi32>
          %squeeze3A_291 = vector.extract %slice3A_290[0] : i32 from vector<1xi32>
          %add3A_292 = arith.addi %add3A_259, %squeeze3A_291 : i32
          scf.yield %add3A_292 : i32
        }
        %scan3A_55 = arith.constant 50 : i32
        %add3A_56 = arith.constant 0 : i32
        %add3A_57 = arith.addi %scan3A_54, %add3A_56 : i32
        %broadcast_in_dim3A = arith.constant 6400 : i32
        %broadcast_in_dim3A_58 = vector.broadcast %broadcast_in_dim3A : i32 to vector<16xi32>
        %swap3A = arith.index_cast %add3A_57 : i32 to index
        %swap3A_59 = tpu.vector_load %arg9[%swap3A] {strides = array<i32>} : memref<4064xi32, #tpu.memory_space<vmem>>, vector<16xi32>,
        tpu.vector_store %arg9[%swap3A], %broadcast_in_dim3A_58 {strides = array<i32>} : memref<4064xi32, #tpu.memory_space<vmem>>, vector<16xi32>,
        %broadcast_in_dim3A_60 = vector.broadcast %add3A_48 : i32 to vector<16xi32>
        %swap3A_61 = arith.index_cast %add3A_57 : i32 to index
        %swap3A_62 = tpu.vector_load %arg10[%swap3A_61] {strides = array<i32>} : memref<4064xi32, #tpu.memory_space<vmem>>, vector<16xi32>,
        tpu.vector_store %arg10[%swap3A_61], %broadcast_in_dim3A_60 {strides = array<i32>} : memref<4064xi32, #tpu.memory_space<vmem>>, vector<16xi32>,
        %add3A_63 = arith.constant 16 : i32
        %add3A_64 = arith.addi %scan3A_54, %add3A_63 : i32
        %broadcast_in_dim3A_65 = arith.constant 6400 : i32
        %broadcast_in_dim3A_66 = vector.broadcast %broadcast_in_dim3A_65 : i32 to vector<16xi32>
        %swap3A_67 = arith.index_cast %add3A_64 : i32 to index
        %swap3A_68 = tpu.vector_load %arg9[%swap3A_67] {strides = array<i32>} : memref<4064xi32, #tpu.memory_space<vmem>>, vector<16xi32>,
        tpu.vector_store %arg9[%swap3A_67], %broadcast_in_dim3A_66 {strides = array<i32>} : memref<4064xi32, #tpu.memory_space<vmem>>, vector<16xi32>,
        %broadcast_in_dim3A_69 = vector.broadcast %add3A_48 : i32 to vector<16xi32>
        %swap3A_70 = arith.index_cast %add3A_64 : i32 to index
        %swap3A_71 = tpu.vector_load %arg10[%swap3A_70] {strides = array<i32>} : memref<4064xi32, #tpu.memory_space<vmem>>, vector<16xi32>,
        tpu.vector_store %arg10[%swap3A_70], %broadcast_in_dim3A_69 {strides = array<i32>} : memref<4064xi32, #tpu.memory_space<vmem>>, vector<16xi32>,
        %add3A_72 = arith.constant 32 : i32
        %add3A_73 = arith.addi %scan3A_54, %add3A_72 : i32
        %sub3A = arith.constant 1 : i32
        %sub3A_74 = arith.subi %add3A_73, %sub3A : i32
        %jit3A = arith.constant 32 : i32
        %div3A = arith.divsi %sub3A_74, %jit3A : i32
        %sign3A = arith.constant 0 : i32
        %sign3A_75 = arith.cmpi sgt, %sub3A_74, %sign3A : i32
        %sign3A_76 = arith.extui %sign3A_75 : i1 to i32
        %sign3A_77 = arith.constant 0 : i32
        %sign3A_78 = arith.cmpi slt, %sub3A_74, %sign3A_77 : i32
        %sign3A_79 = arith.extui %sign3A_78 : i1 to i32
        %sign3A_80 = arith.subi %sign3A_76, %sign3A_79 : i32
        %sign3A_81 = arith.constant 0 : i32
        %sign3A_82 = arith.cmpi sgt, %jit3A, %sign3A_81 : i32
        %sign3A_83 = arith.extui %sign3A_82 : i1 to i32
        %sign3A_84 = arith.constant 0 : i32
        %sign3A_85 = arith.cmpi slt, %jit3A, %sign3A_84 : i32
        %sign3A_86 = arith.extui %sign3A_85 : i1 to i32
        %sign3A_87 = arith.subi %sign3A_83, %sign3A_86 : i32
        %ne3A = arith.cmpi ne, %sign3A_80, %sign3A_87 : i32
        %rem3A = arith.remsi %sub3A_74, %jit3A : i32
        %ne3A_88 = arith.constant 0 : i32
        %ne3A_89 = arith.cmpi ne, %rem3A, %ne3A_88 : i32
        %and3A = arith.andi %ne3A, %ne3A_89 : i1
        %sub3A_90 = arith.constant 1 : i32
        %sub3A_91 = arith.subi %div3A, %sub3A_90 : i32
        %select_n3A = arith.select %and3A, %sub3A_91, %div3A : i32
        %broadcast_in_dim3A_92 = vector.broadcast %add3A_48 : i32 to vector<16xi32>
        %gt3A = arith.constant 0 : i32
        %gt3A_93 = arith.cmpi sgt, %select_n3A, %gt3A : i32
        %convert_element_type3A = arith.extui %gt3A_93 : i1 to i32
        %cond3A = arith.constant 0 : i32
        %cond3A_94 = arith.cmpi ne, %convert_element_type3A, %cond3A : i32
        scf.if %cond3A_94 {
          %mul3A_133 = arith.constant 0 : i32
          %mul3A_134 = arith.constant 32 : i32
          %mul3A_135 = arith.muli %mul3A_133, %mul3A_134 : i32
          %add3A_136 = arith.constant 0 : i32
          %add3A_137 = arith.addi %mul3A_135, %add3A_136 : i32
          %get3A = arith.index_cast %add3A_137 : i32 to index
          %get3A_138 = tpu.vector_load %arg10[%get3A] {strides = array<i32>} : memref<4064xi32, #tpu.memory_space<vmem>>, vector<16xi32>,
          %add3A_139 = arith.constant 0 : i32
          %add3A_140 = arith.addi %mul3A_135, %add3A_139 : i32
          %get3A_141 = arith.index_cast %add3A_140 : i32 to index
          %get3A_142 = tpu.vector_load %arg9[%get3A_141] {strides = array<i32>} : memref<4064xi32, #tpu.memory_space<vmem>>, vector<16xi32>,
          %swap3A_143 = arith.constant 0 : index
          %swap3A_144 = tpu.vector_load %arg11[%swap3A_143] {strides = array<i32>} : memref<32xi32, #tpu.memory_space<vmem>>, vector<16xi32>,
          tpu.vector_store %arg11[%swap3A_143], %get3A_142 {strides = array<i32>} : memref<32xi32, #tpu.memory_space<vmem>>, vector<16xi32>,
          %swap3A_145 = arith.constant 0 : index
          %swap3A_146 = tpu.vector_load %arg15[%swap3A_145] {strides = array<i32>} : memref<32xi32, #tpu.memory_space<vmem>>, vector<16xi32>,
          tpu.vector_store %arg15[%swap3A_145], %get3A_138 {strides = array<i32>} : memref<32xi32, #tpu.memory_space<vmem>>, vector<16xi32>,
          %sub3A_147 = arith.subi %get3A_138, %broadcast_in_dim3A_92 : vector<16xi32>
          %gather3A = tpu.vector_load_idx %arg8[%sub3A_147] : memref<4000xi32, #tpu.memory_space<vmem>>[vector<16xi32>], vector<16xi32>,
          %swap3A_148 = arith.constant 0 : index
          %swap3A_149 = tpu.vector_load %arg13[%swap3A_148] {strides = array<i32>} : memref<32xi32, #tpu.memory_space<vmem>>, vector<16xi32>,
          tpu.vector_store %arg13[%swap3A_148], %gather3A {strides = array<i32>} : memref<32xi32, #tpu.memory_space<vmem>>, vector<16xi32>,
          %add3A_150 = arith.constant 16 : i32
          %add3A_151 = arith.addi %mul3A_135, %add3A_150 : i32
          %get3A_152 = arith.index_cast %add3A_151 : i32 to index
          %get3A_153 = tpu.vector_load %arg10[%get3A_152] {strides = array<i32>} : memref<4064xi32, #tpu.memory_space<vmem>>, vector<16xi32>,
          %add3A_154 = arith.constant 16 : i32
          %add3A_155 = arith.addi %mul3A_135, %add3A_154 : i32
          %get3A_156 = arith.index_cast %add3A_155 : i32 to index
          %get3A_157 = tpu.vector_load %arg9[%get3A_156] {strides = array<i32>} : memref<4064xi32, #tpu.memory_space<vmem>>, vector<16xi32>,
          %swap3A_158 = arith.constant 16 : index
          %swap3A_159 = tpu.vector_load %arg11[%swap3A_158] {strides = array<i32>} : memref<32xi32, #tpu.memory_space<vmem>>, vector<16xi32>,
          tpu.vector_store %arg11[%swap3A_158], %get3A_157 {strides = array<i32>} : memref<32xi32, #tpu.memory_space<vmem>>, vector<16xi32>,
          %swap3A_160 = arith.constant 16 : index
          %swap3A_161 = tpu.vector_load %arg15[%swap3A_160] {strides = array<i32>} : memref<32xi32, #tpu.memory_space<vmem>>, vector<16xi32>,
          tpu.vector_store %arg15[%swap3A_160], %get3A_153 {strides = array<i32>} : memref<32xi32, #tpu.memory_space<vmem>>, vector<16xi32>,
          %sub3A_162 = arith.subi %get3A_153, %broadcast_in_dim3A_92 : vector<16xi32>
          %gather3A_163 = tpu.vector_load_idx %arg8[%sub3A_162] : memref<4000xi32, #tpu.memory_space<vmem>>[vector<16xi32>], vector<16xi32>,
          %swap3A_164 = arith.constant 16 : index
          %swap3A_165 = tpu.vector_load %arg13[%swap3A_164] {strides = array<i32>} : memref<32xi32, #tpu.memory_space<vmem>>, vector<16xi32>,
          tpu.vector_store %arg13[%swap3A_164], %gather3A_163 {strides = array<i32>} : memref<32xi32, #tpu.memory_space<vmem>>, vector<16xi32>,
          %dma_start3A = arith.constant 0 : i32
          %dma_start3A_166 = arith.constant 0 : i32
          %dma_start3A_167 = tpu.memref_slice %arg2[%dma_start3A, %dma_start3A_166] : memref<320000x128xf32, #tpu.memory_space<hbm>> -> memref<320000x128xf32, #tpu.memory_space<hbm>>
          tpu.enqueue_indirect_dma source(%dma_start3A_167 : memref<320000x128xf32, #tpu.memory_space<hbm>>) target(%arg17 : memref<32x128xf32, #tpu.memory_space<vmem>>) offsets(%arg13 : memref<32xi32, #tpu.memory_space<vmem>>) semaphore(%arg24 : memref<!tpu.dma_semaphore, #tpu.memory_space<semaphore_mem>>)
          %dma_start3A_168 = arith.constant 0 : i32
          %dma_start3A_169 = arith.constant 0 : i32
          %dma_start3A_170 = tpu.memref_slice %arg3[%dma_start3A_168, %dma_start3A_169] : memref<640000x128xf32, #tpu.memory_space<hbm>> -> memref<640000x128xf32, #tpu.memory_space<hbm>>
          tpu.enqueue_indirect_dma source(%dma_start3A_170 : memref<640000x128xf32, #tpu.memory_space<hbm>>) target(%arg19 : memref<32x128xf32, #tpu.memory_space<vmem>>) offsets(%arg15 : memref<32xi32, #tpu.memory_space<vmem>>) semaphore(%arg26 : memref<!tpu.dma_semaphore, #tpu.memory_space<semaphore_mem>>)
        } else {
        }
        %add3A_95 = arith.constant 1 : i32
        %add3A_96 = arith.addi %select_n3A, %add3A_95 : i32
        %jit3A_97 = arith.constant 2 : i32
        %div3A_98 = arith.divsi %add3A_96, %jit3A_97 : i32
        %sign3A_99 = arith.constant 0 : i32
        %sign3A_100 = arith.cmpi sgt, %add3A_96, %sign3A_99 : i32
        %sign3A_101 = arith.extui %sign3A_100 : i1 to i32
        %sign3A_102 = arith.constant 0 : i32
        %sign3A_103 = arith.cmpi slt, %add3A_96, %sign3A_102 : i32
        %sign3A_104 = arith.extui %sign3A_103 : i1 to i32
        %sign3A_105 = arith.subi %sign3A_101, %sign3A_104 : i32
        %sign3A_106 = arith.constant 0 : i32
        %sign3A_107 = arith.cmpi sgt, %jit3A_97, %sign3A_106 : i32
        %sign3A_108 = arith.extui %sign3A_107 : i1 to i32
        %sign3A_109 = arith.constant 0 : i32
        %sign3A_110 = arith.cmpi slt, %jit3A_97, %sign3A_109 : i32
        %sign3A_111 = arith.extui %sign3A_110 : i1 to i32
        %sign3A_112 = arith.subi %sign3A_108, %sign3A_111 : i32
        %ne3A_113 = arith.cmpi ne, %sign3A_105, %sign3A_112 : i32
        %rem3A_114 = arith.remsi %add3A_96, %jit3A_97 : i32
        %ne3A_115 = arith.constant 0 : i32
        %ne3A_116 = arith.cmpi ne, %rem3A_114, %ne3A_115 : i32
        %and3A_117 = arith.andi %ne3A_113, %ne3A_116 : i1
        %sub3A_118 = arith.constant 1 : i32
        %sub3A_119 = arith.subi %div3A_98, %sub3A_118 : i32
        %select_n3A_120 = arith.select %and3A_117, %sub3A_119, %div3A_98 : i32
        %while3A = arith.constant 0 : i32
        %while3A_121 = arith.constant 0 : i32
        %while3A_122 = arith.subi %select_n3A_120, %while3A : i32
        %while3A_123 = arith.addi %while3A, %while3A_122 : i32
        %while3A_124 = arith.constant 1 : i32
        %while3A_125 = arith.divsi %while3A_122, %while3A_124 : i32
        %while3A_126 = arith.muli %while3A_125, %while3A_124 : i32
        %while3A_127 = arith.addi %while3A, %while3A_126 : i32
        %while3A_128 = arith.constant 1 : i32
        %while3A_129 = scf.for %while3A_133 = %while3A to %while3A_127 step %while3A_128 iter_args(%while3A_134 = %while3A_121) -> (i32)  : i32 {
          %mul3A_135 = arith.constant 2 : i32
          %mul3A_136 = arith.muli %while3A_133, %mul3A_135 : i32
          %add3A_137 = arith.constant 1 : i32
          %add3A_138 = arith.addi %mul3A_136, %add3A_137 : i32
          %lt3A = arith.cmpi slt, %add3A_138, %select_n3A : i32
          %convert_element_type3A_139 = arith.extui %lt3A : i1 to i32
          %cond3A_140 = arith.constant 0 : i32
          %cond3A_141 = arith.cmpi ne, %convert_element_type3A_139, %cond3A_140 : i32
          scf.if %cond3A_141 {
            %mul3A_157 = arith.constant 32 : i32
            %mul3A_158 = arith.muli %add3A_138, %mul3A_157 : i32
            %add3A_159 = arith.constant 0 : i32
            %add3A_160 = arith.addi %mul3A_158, %add3A_159 : i32
            %get3A = arith.index_cast %add3A_160 : i32 to index
            %get3A_161 = tpu.vector_load %arg10[%get3A] {strides = array<i32>} : memref<4064xi32, #tpu.memory_space<vmem>>, vector<16xi32>,
            %add3A_162 = arith.constant 0 : i32
            %add3A_163 = arith.addi %mul3A_158, %add3A_162 : i32
            %get3A_164 = arith.index_cast %add3A_163 : i32 to index
            %get3A_165 = tpu.vector_load %arg9[%get3A_164] {strides = array<i32>} : memref<4064xi32, #tpu.memory_space<vmem>>, vector<16xi32>,
            %swap3A_166 = arith.constant 0 : index
            %swap3A_167 = tpu.vector_load %arg12[%swap3A_166] {strides = array<i32>} : memref<32xi32, #tpu.memory_space<vmem>>, vector<16xi32>,
            tpu.vector_store %arg12[%swap3A_166], %get3A_165 {strides = array<i32>} : memref<32xi32, #tpu.memory_space<vmem>>, vector<16xi32>,
            %swap3A_168 = arith.constant 0 : index
            %swap3A_169 = tpu.vector_load %arg16[%swap3A_168] {strides = array<i32>} : memref<32xi32, #tpu.memory_space<vmem>>, vector<16xi32>,
            tpu.vector_store %arg16[%swap3A_168], %get3A_161 {strides = array<i32>} : memref<32xi32, #tpu.memory_space<vmem>>, vector<16xi32>,
            %sub3A_170 = arith.subi %get3A_161, %broadcast_in_dim3A_92 : vector<16xi32>
            %gather3A = tpu.vector_load_idx %arg8[%sub3A_170] : memref<4000xi32, #tpu.memory_space<vmem>>[vector<16xi32>], vector<16xi32>,
            %swap3A_171 = arith.constant 0 : index
            %swap3A_172 = tpu.vector_load %arg14[%swap3A_171] {strides = array<i32>} : memref<32xi32, #tpu.memory_space<vmem>>, vector<16xi32>,
            tpu.vector_store %arg14[%swap3A_171], %gather3A {strides = array<i32>} : memref<32xi32, #tpu.memory_space<vmem>>, vector<16xi32>,
            %add3A_173 = arith.constant 16 : i32
            %add3A_174 = arith.addi %mul3A_158, %add3A_173 : i32
            %get3A_175 = arith.index_cast %add3A_174 : i32 to index
            %get3A_176 = tpu.vector_load %arg10[%get3A_175] {strides = array<i32>} : memref<4064xi32, #tpu.memory_space<vmem>>, vector<16xi32>,
            %add3A_177 = arith.constant 16 : i32
            %add3A_178 = arith.addi %mul3A_158, %add3A_177 : i32
            %get3A_179 = arith.index_cast %add3A_178 : i32 to index
            %get3A_180 = tpu.vector_load %arg9[%get3A_179] {strides = array<i32>} : memref<4064xi32, #tpu.memory_space<vmem>>, vector<16xi32>,
            %swap3A_181 = arith.constant 16 : index
            %swap3A_182 = tpu.vector_load %arg12[%swap3A_181] {strides = array<i32>} : memref<32xi32, #tpu.memory_space<vmem>>, vector<16xi32>,
            tpu.vector_store %arg12[%swap3A_181], %get3A_180 {strides = array<i32>} : memref<32xi32, #tpu.memory_space<vmem>>, vector<16xi32>,
            %swap3A_183 = arith.constant 16 : index
            %swap3A_184 = tpu.vector_load %arg16[%swap3A_183] {strides = array<i32>} : memref<32xi32, #tpu.memory_space<vmem>>, vector<16xi32>,
            tpu.vector_store %arg16[%swap3A_183], %get3A_176 {strides = array<i32>} : memref<32xi32, #tpu.memory_space<vmem>>, vector<16xi32>,
            %sub3A_185 = arith.subi %get3A_176, %broadcast_in_dim3A_92 : vector<16xi32>
            %gather3A_186 = tpu.vector_load_idx %arg8[%sub3A_185] : memref<4000xi32, #tpu.memory_space<vmem>>[vector<16xi32>], vector<16xi32>,
            %swap3A_187 = arith.constant 16 : index
            %swap3A_188 = tpu.vector_load %arg14[%swap3A_187] {strides = array<i32>} : memref<32xi32, #tpu.memory_space<vmem>>, vector<16xi32>,
            tpu.vector_store %arg14[%swap3A_187], %gather3A_186 {strides = array<i32>} : memref<32xi32, #tpu.memory_space<vmem>>, vector<16xi32>,
            %dma_start3A = arith.constant 0 : i32
            %dma_start3A_189 = arith.constant 0 : i32
            %dma_start3A_190 = tpu.memref_slice %arg2[%dma_start3A, %dma_start3A_189] : memref<320000x128xf32, #tpu.memory_space<hbm>> -> memref<320000x128xf32, #tpu.memory_space<hbm>>
            tpu.enqueue_indirect_dma source(%dma_start3A_190 : memref<320000x128xf32, #tpu.memory_space<hbm>>) target(%arg18 : memref<32x128xf32, #tpu.memory_space<vmem>>) offsets(%arg14 : memref<32xi32, #tpu.memory_space<vmem>>) semaphore(%arg25 : memref<!tpu.dma_semaphore, #tpu.memory_space<semaphore_mem>>)
            %dma_start3A_191 = arith.constant 0 : i32
            %dma_start3A_192 = arith.constant 0 : i32
            %dma_start3A_193 = tpu.memref_slice %arg3[%dma_start3A_191, %dma_start3A_192] : memref<640000x128xf32, #tpu.memory_space<hbm>> -> memref<640000x128xf32, #tpu.memory_space<hbm>>
            tpu.enqueue_indirect_dma source(%dma_start3A_193 : memref<640000x128xf32, #tpu.memory_space<hbm>>) target(%arg20 : memref<32x128xf32, #tpu.memory_space<vmem>>) offsets(%arg16 : memref<32xi32, #tpu.memory_space<vmem>>) semaphore(%arg27 : memref<!tpu.dma_semaphore, #tpu.memory_space<semaphore_mem>>)
          } else {
          }
          %lt3A_142 = arith.cmpi slt, %mul3A_136, %select_n3A : i32
          %convert_element_type3A_143 = arith.extui %lt3A_142 : i1 to i32
          %cond3A_144 = arith.constant 0 : i32
          %cond3A_145 = arith.cmpi ne, %convert_element_type3A_143, %cond3A_144 : i32
          scf.if %cond3A_145 {
            %dma_wait3A = arith.constant 0 : i32
            %dma_wait3A_157 = arith.constant 0 : i32
            %dma_wait3A_158 = tpu.memref_slice %arg2[%dma_wait3A, %dma_wait3A_157] : memref<320000x128xf32, #tpu.memory_space<hbm>> -> memref<320000x128xf32, #tpu.memory_space<hbm>>
            tpu.wait_indirect_dma semaphore(%arg24 : memref<!tpu.dma_semaphore, #tpu.memory_space<semaphore_mem>>) src(%dma_wait3A_158 : memref<320000x128xf32, #tpu.memory_space<hbm>>) dst(%arg17 : memref<32x128xf32, #tpu.memory_space<vmem>>)
            %dma_wait3A_159 = arith.constant 0 : i32
            %dma_wait3A_160 = arith.constant 0 : i32
            %dma_wait3A_161 = tpu.memref_slice %arg3[%dma_wait3A_159, %dma_wait3A_160] : memref<640000x128xf32, #tpu.memory_space<hbm>> -> memref<640000x128xf32, #tpu.memory_space<hbm>>
            tpu.wait_indirect_dma semaphore(%arg26 : memref<!tpu.dma_semaphore, #tpu.memory_space<semaphore_mem>>) src(%dma_wait3A_161 : memref<640000x128xf32, #tpu.memory_space<hbm>>) dst(%arg19 : memref<32x128xf32, #tpu.memory_space<vmem>>)
            %scan3A_162 = arith.constant 0 : i32
            %scan3A_163 = arith.constant 0 : i32
            %scan3A_164 = arith.constant 32 : i32
            %scan3A_165 = arith.addi %scan3A_163, %scan3A_164 : i32
            %scan3A_166 = arith.constant 1 : i32
            %scan3A_167 = scf.for %scan3A_169 = %scan3A_163 to %scan3A_165 step %scan3A_166 iter_args(%scan3A_170 = %scan3A_162) -> (i32)  : i32 {
              %get3A = arith.index_cast %scan3A_169 : i32 to index
              %get3A_171 = arith.constant 0 : index
              %get3A_172 = tpu.vector_load %arg17[%get3A, %get3A_171] {strides = array<i32>} : memref<32x128xf32, #tpu.memory_space<vmem>>, vector<16xf32>,
              %get3A_173 = arith.index_cast %scan3A_169 : i32 to index
              %get3A_174 = arith.constant 0 : index
              %get3A_175 = tpu.vector_load %arg19[%get3A_173, %get3A_174] {strides = array<i32>} : memref<32x128xf32, #tpu.memory_space<vmem>>, vector<16xf32>,
              %mul3A_176 = arith.mulf %get3A_172, %get3A_175 : vector<16xf32>
              %swap3A_177 = arith.index_cast %scan3A_169 : i32 to index
              %swap3A_178 = arith.constant 0 : index
              %swap3A_179 = tpu.vector_load %arg21[%swap3A_177, %swap3A_178] {strides = array<i32>} : memref<32x128xf32, #tpu.memory_space<vmem>>, vector<16xf32>,
              tpu.vector_store %arg21[%swap3A_177, %swap3A_178], %mul3A_176 {strides = array<i32>} : memref<32x128xf32, #tpu.memory_space<vmem>>, vector<16xf32>,
              %get3A_180 = arith.index_cast %scan3A_169 : i32 to index
              %get3A_181 = arith.constant 16 : index
              %get3A_182 = tpu.vector_load %arg17[%get3A_180, %get3A_181] {strides = array<i32>} : memref<32x128xf32, #tpu.memory_space<vmem>>, vector<16xf32>,
              %get3A_183 = arith.index_cast %scan3A_169 : i32 to index
              %get3A_184 = arith.constant 16 : index
              %get3A_185 = tpu.vector_load %arg19[%get3A_183, %get3A_184] {strides = array<i32>} : memref<32x128xf32, #tpu.memory_space<vmem>>, vector<16xf32>,
              %mul3A_186 = arith.mulf %get3A_182, %get3A_185 : vector<16xf32>
              %swap3A_187 = arith.index_cast %scan3A_169 : i32 to index
              %swap3A_188 = arith.constant 16 : index
              %swap3A_189 = tpu.vector_load %arg21[%swap3A_187, %swap3A_188] {strides = array<i32>} : memref<32x128xf32, #tpu.memory_space<vmem>>, vector<16xf32>,
              tpu.vector_store %arg21[%swap3A_187, %swap3A_188], %mul3A_186 {strides = array<i32>} : memref<32x128xf32, #tpu.memory_space<vmem>>, vector<16xf32>,
              %get3A_190 = arith.index_cast %scan3A_169 : i32 to index
              %get3A_191 = arith.constant 32 : index
              %get3A_192 = tpu.vector_load %arg17[%get3A_190, %get3A_191] {strides = array<i32>} : memref<32x128xf32, #tpu.memory_space<vmem>>, vector<16xf32>,
              %get3A_193 = arith.index_cast %scan3A_169 : i32 to index
              %get3A_194 = arith.constant 32 : index
              %get3A_195 = tpu.vector_load %arg19[%get3A_193, %get3A_194] {strides = array<i32>} : memref<32x128xf32, #tpu.memory_space<vmem>>, vector<16xf32>,
              %mul3A_196 = arith.mulf %get3A_192, %get3A_195 : vector<16xf32>
              %swap3A_197 = arith.index_cast %scan3A_169 : i32 to index
              %swap3A_198 = arith.constant 32 : index
              %swap3A_199 = tpu.vector_load %arg21[%swap3A_197, %swap3A_198] {strides = array<i32>} : memref<32x128xf32, #tpu.memory_space<vmem>>, vector<16xf32>,
              tpu.vector_store %arg21[%swap3A_197, %swap3A_198], %mul3A_196 {strides = array<i32>} : memref<32x128xf32, #tpu.memory_space<vmem>>, vector<16xf32>,
              %get3A_200 = arith.index_cast %scan3A_169 : i32 to index
              %get3A_201 = arith.constant 48 : index
              %get3A_202 = tpu.vector_load %arg17[%get3A_200, %get3A_201] {strides = array<i32>} : memref<32x128xf32, #tpu.memory_space<vmem>>, vector<16xf32>,
              %get3A_203 = arith.index_cast %scan3A_169 : i32 to index
              %get3A_204 = arith.constant 48 : index
              %get3A_205 = tpu.vector_load %arg19[%get3A_203, %get3A_204] {strides = array<i32>} : memref<32x128xf32, #tpu.memory_space<vmem>>, vector<16xf32>,
              %mul3A_206 = arith.mulf %get3A_202, %get3A_205 : vector<16xf32>
              %swap3A_207 = arith.index_cast %scan3A_169 : i32 to index
              %swap3A_208 = arith.constant 48 : index
              %swap3A_209 = tpu.vector_load %arg21[%swap3A_207, %swap3A_208] {strides = array<i32>} : memref<32x128xf32, #tpu.memory_space<vmem>>, vector<16xf32>,
              tpu.vector_store %arg21[%swap3A_207, %swap3A_208], %mul3A_206 {strides = array<i32>} : memref<32x128xf32, #tpu.memory_space<vmem>>, vector<16xf32>,
              %get3A_210 = arith.index_cast %scan3A_169 : i32 to index
              %get3A_211 = arith.constant 64 : index
              %get3A_212 = tpu.vector_load %arg17[%get3A_210, %get3A_211] {strides = array<i32>} : memref<32x128xf32, #tpu.memory_space<vmem>>, vector<16xf32>,
              %get3A_213 = arith.index_cast %scan3A_169 : i32 to index
              %get3A_214 = arith.constant 64 : index
              %get3A_215 = tpu.vector_load %arg19[%get3A_213, %get3A_214] {strides = array<i32>} : memref<32x128xf32, #tpu.memory_space<vmem>>, vector<16xf32>,
              %mul3A_216 = arith.mulf %get3A_212, %get3A_215 : vector<16xf32>
              %swap3A_217 = arith.index_cast %scan3A_169 : i32 to index
              %swap3A_218 = arith.constant 64 : index
              %swap3A_219 = tpu.vector_load %arg21[%swap3A_217, %swap3A_218] {strides = array<i32>} : memref<32x128xf32, #tpu.memory_space<vmem>>, vector<16xf32>,
              tpu.vector_store %arg21[%swap3A_217, %swap3A_218], %mul3A_216 {strides = array<i32>} : memref<32x128xf32, #tpu.memory_space<vmem>>, vector<16xf32>,
              %get3A_220 = arith.index_cast %scan3A_169 : i32 to index
              %get3A_221 = arith.constant 80 : index
              %get3A_222 = tpu.vector_load %arg17[%get3A_220, %get3A_221] {strides = array<i32>} : memref<32x128xf32, #tpu.memory_space<vmem>>, vector<16xf32>,
              %get3A_223 = arith.index_cast %scan3A_169 : i32 to index
              %get3A_224 = arith.constant 80 : index
              %get3A_225 = tpu.vector_load %arg19[%get3A_223, %get3A_224] {strides = array<i32>} : memref<32x128xf32, #tpu.memory_space<vmem>>, vector<16xf32>,
              %mul3A_226 = arith.mulf %get3A_222, %get3A_225 : vector<16xf32>
              %swap3A_227 = arith.index_cast %scan3A_169 : i32 to index
              %swap3A_228 = arith.constant 80 : index
              %swap3A_229 = tpu.vector_load %arg21[%swap3A_227, %swap3A_228] {strides = array<i32>} : memref<32x128xf32, #tpu.memory_space<vmem>>, vector<16xf32>,
              tpu.vector_store %arg21[%swap3A_227, %swap3A_228], %mul3A_226 {strides = array<i32>} : memref<32x128xf32, #tpu.memory_space<vmem>>, vector<16xf32>,
              %get3A_230 = arith.index_cast %scan3A_169 : i32 to index
              %get3A_231 = arith.constant 96 : index
              %get3A_232 = tpu.vector_load %arg17[%get3A_230, %get3A_231] {strides = array<i32>} : memref<32x128xf32, #tpu.memory_space<vmem>>, vector<16xf32>,
              %get3A_233 = arith.index_cast %scan3A_169 : i32 to index
              %get3A_234 = arith.constant 96 : index
              %get3A_235 = tpu.vector_load %arg19[%get3A_233, %get3A_234] {strides = array<i32>} : memref<32x128xf32, #tpu.memory_space<vmem>>, vector<16xf32>,
              %mul3A_236 = arith.mulf %get3A_232, %get3A_235 : vector<16xf32>
              %swap3A_237 = arith.index_cast %scan3A_169 : i32 to index
              %swap3A_238 = arith.constant 96 : index
              %swap3A_239 = tpu.vector_load %arg21[%swap3A_237, %swap3A_238] {strides = array<i32>} : memref<32x128xf32, #tpu.memory_space<vmem>>, vector<16xf32>,
              tpu.vector_store %arg21[%swap3A_237, %swap3A_238], %mul3A_236 {strides = array<i32>} : memref<32x128xf32, #tpu.memory_space<vmem>>, vector<16xf32>,
              %get3A_240 = arith.index_cast %scan3A_169 : i32 to index
              %get3A_241 = arith.constant 112 : index
              %get3A_242 = tpu.vector_load %arg17[%get3A_240, %get3A_241] {strides = array<i32>} : memref<32x128xf32, #tpu.memory_space<vmem>>, vector<16xf32>,
              %get3A_243 = arith.index_cast %scan3A_169 : i32 to index
              %get3A_244 = arith.constant 112 : index
              %get3A_245 = tpu.vector_load %arg19[%get3A_243, %get3A_244] {strides = array<i32>} : memref<32x128xf32, #tpu.memory_space<vmem>>, vector<16xf32>,
              %mul3A_246 = arith.mulf %get3A_242, %get3A_245 : vector<16xf32>
              %swap3A_247 = arith.index_cast %scan3A_169 : i32 to index
              %swap3A_248 = arith.constant 112 : index
              %swap3A_249 = tpu.vector_load %arg21[%swap3A_247, %swap3A_248] {strides = array<i32>} : memref<32x128xf32, #tpu.memory_space<vmem>>, vector<16xf32>,
              tpu.vector_store %arg21[%swap3A_247, %swap3A_248], %mul3A_246 {strides = array<i32>} : memref<32x128xf32, #tpu.memory_space<vmem>>, vector<16xf32>,
              %scan3A_250 = arith.constant 0 : i32
              scf.yield %scan3A_250 : i32
            }
            %scan3A_168 = arith.constant 32 : i32
            "tpu.region"() ({
              %run_scoped3A = tpu.sem_alloc : memref<!tpu.dma_semaphore, #tpu.memory_space<semaphore_mem>>
              %dma_start3A = arith.constant 0 : i32
              %dma_start3A_169 = arith.constant 0 : i32
              %dma_start3A_170 = tpu.memref_slice %arg23[%dma_start3A, %dma_start3A_169] : memref<6408x128xf32, #tpu.memory_space<vmem_shared>> -> memref<6408x128xf32, #tpu.memory_space<vmem_shared>>
              tpu.enqueue_indirect_dma source(%arg21 : memref<32x128xf32, #tpu.memory_space<vmem>>) target(%dma_start3A_170 : memref<6408x128xf32, #tpu.memory_space<vmem_shared>>) offsets(%arg11 : memref<32xi32, #tpu.memory_space<vmem>>) semaphore(%run_scoped3A : memref<!tpu.dma_semaphore, #tpu.memory_space<semaphore_mem>>) {add = true}
              %dma_wait3A_171 = arith.constant 0 : i32
              %dma_wait3A_172 = arith.constant 0 : i32
              %dma_wait3A_173 = tpu.memref_slice %arg23[%dma_wait3A_171, %dma_wait3A_172] : memref<6408x128xf32, #tpu.memory_space<vmem_shared>> -> memref<6408x128xf32, #tpu.memory_space<vmem_shared>>
              tpu.wait_indirect_dma semaphore(%run_scoped3A : memref<!tpu.dma_semaphore, #tpu.memory_space<semaphore_mem>>) src(%arg21 : memref<32x128xf32, #tpu.memory_space<vmem>>) dst(%dma_wait3A_173 : memref<6408x128xf32, #tpu.memory_space<vmem_shared>>)
              tpu.yield
            }) : () -> ()
          } else {
          }
          %add3A_146 = arith.constant 2 : i32
          %add3A_147 = arith.addi %mul3A_136, %add3A_146 : i32
          %lt3A_148 = arith.cmpi slt, %add3A_147, %select_n3A : i32
          %convert_element_type3A_149 = arith.extui %lt3A_148 : i1 to i32
          %cond3A_150 = arith.constant 0 : i32
          %cond3A_151 = arith.cmpi ne, %convert_element_type3A_149, %cond3A_150 : i32
          scf.if %cond3A_151 {
            %add3A_157 = arith.constant 2 : i32
            %add3A_158 = arith.addi %mul3A_136, %add3A_157 : i32
            %mul3A_159 = arith.constant 32 : i32
            %mul3A_160 = arith.muli %add3A_158, %mul3A_159 : i32
            %add3A_161 = arith.constant 0 : i32
            %add3A_162 = arith.addi %mul3A_160, %add3A_161 : i32
            %get3A = arith.index_cast %add3A_162 : i32 to index
            %get3A_163 = tpu.vector_load %arg10[%get3A] {strides = array<i32>} : memref<4064xi32, #tpu.memory_space<vmem>>, vector<16xi32>,
            %add3A_164 = arith.constant 0 : i32
            %add3A_165 = arith.addi %mul3A_160, %add3A_164 : i32
            %get3A_166 = arith.index_cast %add3A_165 : i32 to index
            %get3A_167 = tpu.vector_load %arg9[%get3A_166] {strides = array<i32>} : memref<4064xi32, #tpu.memory_space<vmem>>, vector<16xi32>,
            %swap3A_168 = arith.constant 0 : index
            %swap3A_169 = tpu.vector_load %arg11[%swap3A_168] {strides = array<i32>} : memref<32xi32, #tpu.memory_space<vmem>>, vector<16xi32>,
            tpu.vector_store %arg11[%swap3A_168], %get3A_167 {strides = array<i32>} : memref<32xi32, #tpu.memory_space<vmem>>, vector<16xi32>,
            %swap3A_170 = arith.constant 0 : index
            %swap3A_171 = tpu.vector_load %arg15[%swap3A_170] {strides = array<i32>} : memref<32xi32, #tpu.memory_space<vmem>>, vector<16xi32>,
            tpu.vector_store %arg15[%swap3A_170], %get3A_163 {strides = array<i32>} : memref<32xi32, #tpu.memory_space<vmem>>, vector<16xi32>,
            %sub3A_172 = arith.subi %get3A_163, %broadcast_in_dim3A_92 : vector<16xi32>
            %gather3A = tpu.vector_load_idx %arg8[%sub3A_172] : memref<4000xi32, #tpu.memory_space<vmem>>[vector<16xi32>], vector<16xi32>,
            %swap3A_173 = arith.constant 0 : index
            %swap3A_174 = tpu.vector_load %arg13[%swap3A_173] {strides = array<i32>} : memref<32xi32, #tpu.memory_space<vmem>>, vector<16xi32>,
            tpu.vector_store %arg13[%swap3A_173], %gather3A {strides = array<i32>} : memref<32xi32, #tpu.memory_space<vmem>>, vector<16xi32>,
            %add3A_175 = arith.constant 16 : i32
            %add3A_176 = arith.addi %mul3A_160, %add3A_175 : i32
            %get3A_177 = arith.index_cast %add3A_176 : i32 to index
            %get3A_178 = tpu.vector_load %arg10[%get3A_177] {strides = array<i32>} : memref<4064xi32, #tpu.memory_space<vmem>>, vector<16xi32>,
            %add3A_179 = arith.constant 16 : i32
            %add3A_180 = arith.addi %mul3A_160, %add3A_179 : i32
            %get3A_181 = arith.index_cast %add3A_180 : i32 to index
            %get3A_182 = tpu.vector_load %arg9[%get3A_181] {strides = array<i32>} : memref<4064xi32, #tpu.memory_space<vmem>>, vector<16xi32>,
            %swap3A_183 = arith.constant 16 : index
            %swap3A_184 = tpu.vector_load %arg11[%swap3A_183] {strides = array<i32>} : memref<32xi32, #tpu.memory_space<vmem>>, vector<16xi32>,
            tpu.vector_store %arg11[%swap3A_183], %get3A_182 {strides = array<i32>} : memref<32xi32, #tpu.memory_space<vmem>>, vector<16xi32>,
            %swap3A_185 = arith.constant 16 : index
            %swap3A_186 = tpu.vector_load %arg15[%swap3A_185] {strides = array<i32>} : memref<32xi32, #tpu.memory_space<vmem>>, vector<16xi32>,
            tpu.vector_store %arg15[%swap3A_185], %get3A_178 {strides = array<i32>} : memref<32xi32, #tpu.memory_space<vmem>>, vector<16xi32>,
            %sub3A_187 = arith.subi %get3A_178, %broadcast_in_dim3A_92 : vector<16xi32>
            %gather3A_188 = tpu.vector_load_idx %arg8[%sub3A_187] : memref<4000xi32, #tpu.memory_space<vmem>>[vector<16xi32>], vector<16xi32>,
            %swap3A_189 = arith.constant 16 : index
            %swap3A_190 = tpu.vector_load %arg13[%swap3A_189] {strides = array<i32>} : memref<32xi32, #tpu.memory_space<vmem>>, vector<16xi32>,
            tpu.vector_store %arg13[%swap3A_189], %gather3A_188 {strides = array<i32>} : memref<32xi32, #tpu.memory_space<vmem>>, vector<16xi32>,
            %dma_start3A = arith.constant 0 : i32
            %dma_start3A_191 = arith.constant 0 : i32
            %dma_start3A_192 = tpu.memref_slice %arg2[%dma_start3A, %dma_start3A_191] : memref<320000x128xf32, #tpu.memory_space<hbm>> -> memref<320000x128xf32, #tpu.memory_space<hbm>>
            tpu.enqueue_indirect_dma source(%dma_start3A_192 : memref<320000x128xf32, #tpu.memory_space<hbm>>) target(%arg17 : memref<32x128xf32, #tpu.memory_space<vmem>>) offsets(%arg13 : memref<32xi32, #tpu.memory_space<vmem>>) semaphore(%arg24 : memref<!tpu.dma_semaphore, #tpu.memory_space<semaphore_mem>>)
            %dma_start3A_193 = arith.constant 0 : i32
            %dma_start3A_194 = arith.constant 0 : i32
            %dma_start3A_195 = tpu.memref_slice %arg3[%dma_start3A_193, %dma_start3A_194] : memref<640000x128xf32, #tpu.memory_space<hbm>> -> memref<640000x128xf32, #tpu.memory_space<hbm>>
            tpu.enqueue_indirect_dma source(%dma_start3A_195 : memref<640000x128xf32, #tpu.memory_space<hbm>>) target(%arg19 : memref<32x128xf32, #tpu.memory_space<vmem>>) offsets(%arg15 : memref<32xi32, #tpu.memory_space<vmem>>) semaphore(%arg26 : memref<!tpu.dma_semaphore, #tpu.memory_space<semaphore_mem>>)
          } else {
          }
          %lt3A_152 = arith.cmpi slt, %add3A_138, %select_n3A : i32
          %convert_element_type3A_153 = arith.extui %lt3A_152 : i1 to i32
          %cond3A_154 = arith.constant 0 : i32
          %cond3A_155 = arith.cmpi ne, %convert_element_type3A_153, %cond3A_154 : i32
          scf.if %cond3A_155 {
            %dma_wait3A = arith.constant 0 : i32
            %dma_wait3A_157 = arith.constant 0 : i32
            %dma_wait3A_158 = tpu.memref_slice %arg2[%dma_wait3A, %dma_wait3A_157] : memref<320000x128xf32, #tpu.memory_space<hbm>> -> memref<320000x128xf32, #tpu.memory_space<hbm>>
            tpu.wait_indirect_dma semaphore(%arg25 : memref<!tpu.dma_semaphore, #tpu.memory_space<semaphore_mem>>) src(%dma_wait3A_158 : memref<320000x128xf32, #tpu.memory_space<hbm>>) dst(%arg18 : memref<32x128xf32, #tpu.memory_space<vmem>>)
            %dma_wait3A_159 = arith.constant 0 : i32
            %dma_wait3A_160 = arith.constant 0 : i32
            %dma_wait3A_161 = tpu.memref_slice %arg3[%dma_wait3A_159, %dma_wait3A_160] : memref<640000x128xf32, #tpu.memory_space<hbm>> -> memref<640000x128xf32, #tpu.memory_space<hbm>>
            tpu.wait_indirect_dma semaphore(%arg27 : memref<!tpu.dma_semaphore, #tpu.memory_space<semaphore_mem>>) src(%dma_wait3A_161 : memref<640000x128xf32, #tpu.memory_space<hbm>>) dst(%arg20 : memref<32x128xf32, #tpu.memory_space<vmem>>)
            %scan3A_162 = arith.constant 0 : i32
            %scan3A_163 = arith.constant 0 : i32
            %scan3A_164 = arith.constant 32 : i32
            %scan3A_165 = arith.addi %scan3A_163, %scan3A_164 : i32
            %scan3A_166 = arith.constant 1 : i32
            %scan3A_167 = scf.for %scan3A_169 = %scan3A_163 to %scan3A_165 step %scan3A_166 iter_args(%scan3A_170 = %scan3A_162) -> (i32)  : i32 {
              %get3A = arith.index_cast %scan3A_169 : i32 to index
              %get3A_171 = arith.constant 0 : index
              %get3A_172 = tpu.vector_load %arg18[%get3A, %get3A_171] {strides = array<i32>} : memref<32x128xf32, #tpu.memory_space<vmem>>, vector<16xf32>,
              %get3A_173 = arith.index_cast %scan3A_169 : i32 to index
              %get3A_174 = arith.constant 0 : index
              %get3A_175 = tpu.vector_load %arg20[%get3A_173, %get3A_174] {strides = array<i32>} : memref<32x128xf32, #tpu.memory_space<vmem>>, vector<16xf32>,
              %mul3A_176 = arith.mulf %get3A_172, %get3A_175 : vector<16xf32>
              %swap3A_177 = arith.index_cast %scan3A_169 : i32 to index
              %swap3A_178 = arith.constant 0 : index
              %swap3A_179 = tpu.vector_load %arg21[%swap3A_177, %swap3A_178] {strides = array<i32>} : memref<32x128xf32, #tpu.memory_space<vmem>>, vector<16xf32>,
              tpu.vector_store %arg21[%swap3A_177, %swap3A_178], %mul3A_176 {strides = array<i32>} : memref<32x128xf32, #tpu.memory_space<vmem>>, vector<16xf32>,
              %get3A_180 = arith.index_cast %scan3A_169 : i32 to index
              %get3A_181 = arith.constant 16 : index
              %get3A_182 = tpu.vector_load %arg18[%get3A_180, %get3A_181] {strides = array<i32>} : memref<32x128xf32, #tpu.memory_space<vmem>>, vector<16xf32>,
              %get3A_183 = arith.index_cast %scan3A_169 : i32 to index
              %get3A_184 = arith.constant 16 : index
              %get3A_185 = tpu.vector_load %arg20[%get3A_183, %get3A_184] {strides = array<i32>} : memref<32x128xf32, #tpu.memory_space<vmem>>, vector<16xf32>,
              %mul3A_186 = arith.mulf %get3A_182, %get3A_185 : vector<16xf32>
              %swap3A_187 = arith.index_cast %scan3A_169 : i32 to index
              %swap3A_188 = arith.constant 16 : index
              %swap3A_189 = tpu.vector_load %arg21[%swap3A_187, %swap3A_188] {strides = array<i32>} : memref<32x128xf32, #tpu.memory_space<vmem>>, vector<16xf32>,
              tpu.vector_store %arg21[%swap3A_187, %swap3A_188], %mul3A_186 {strides = array<i32>} : memref<32x128xf32, #tpu.memory_space<vmem>>, vector<16xf32>,
              %get3A_190 = arith.index_cast %scan3A_169 : i32 to index
              %get3A_191 = arith.constant 32 : index
              %get3A_192 = tpu.vector_load %arg18[%get3A_190, %get3A_191] {strides = array<i32>} : memref<32x128xf32, #tpu.memory_space<vmem>>, vector<16xf32>,
              %get3A_193 = arith.index_cast %scan3A_169 : i32 to index
              %get3A_194 = arith.constant 32 : index
              %get3A_195 = tpu.vector_load %arg20[%get3A_193, %get3A_194] {strides = array<i32>} : memref<32x128xf32, #tpu.memory_space<vmem>>, vector<16xf32>,
              %mul3A_196 = arith.mulf %get3A_192, %get3A_195 : vector<16xf32>
              %swap3A_197 = arith.index_cast %scan3A_169 : i32 to index
              %swap3A_198 = arith.constant 32 : index
              %swap3A_199 = tpu.vector_load %arg21[%swap3A_197, %swap3A_198] {strides = array<i32>} : memref<32x128xf32, #tpu.memory_space<vmem>>, vector<16xf32>,
              tpu.vector_store %arg21[%swap3A_197, %swap3A_198], %mul3A_196 {strides = array<i32>} : memref<32x128xf32, #tpu.memory_space<vmem>>, vector<16xf32>,
              %get3A_200 = arith.index_cast %scan3A_169 : i32 to index
              %get3A_201 = arith.constant 48 : index
              %get3A_202 = tpu.vector_load %arg18[%get3A_200, %get3A_201] {strides = array<i32>} : memref<32x128xf32, #tpu.memory_space<vmem>>, vector<16xf32>,
              %get3A_203 = arith.index_cast %scan3A_169 : i32 to index
              %get3A_204 = arith.constant 48 : index
              %get3A_205 = tpu.vector_load %arg20[%get3A_203, %get3A_204] {strides = array<i32>} : memref<32x128xf32, #tpu.memory_space<vmem>>, vector<16xf32>,
              %mul3A_206 = arith.mulf %get3A_202, %get3A_205 : vector<16xf32>
              %swap3A_207 = arith.index_cast %scan3A_169 : i32 to index
              %swap3A_208 = arith.constant 48 : index
              %swap3A_209 = tpu.vector_load %arg21[%swap3A_207, %swap3A_208] {strides = array<i32>} : memref<32x128xf32, #tpu.memory_space<vmem>>, vector<16xf32>,
              tpu.vector_store %arg21[%swap3A_207, %swap3A_208], %mul3A_206 {strides = array<i32>} : memref<32x128xf32, #tpu.memory_space<vmem>>, vector<16xf32>,
              %get3A_210 = arith.index_cast %scan3A_169 : i32 to index
              %get3A_211 = arith.constant 64 : index
              %get3A_212 = tpu.vector_load %arg18[%get3A_210, %get3A_211] {strides = array<i32>} : memref<32x128xf32, #tpu.memory_space<vmem>>, vector<16xf32>,
              %get3A_213 = arith.index_cast %scan3A_169 : i32 to index
              %get3A_214 = arith.constant 64 : index
              %get3A_215 = tpu.vector_load %arg20[%get3A_213, %get3A_214] {strides = array<i32>} : memref<32x128xf32, #tpu.memory_space<vmem>>, vector<16xf32>,
              %mul3A_216 = arith.mulf %get3A_212, %get3A_215 : vector<16xf32>
              %swap3A_217 = arith.index_cast %scan3A_169 : i32 to index
              %swap3A_218 = arith.constant 64 : index
              %swap3A_219 = tpu.vector_load %arg21[%swap3A_217, %swap3A_218] {strides = array<i32>} : memref<32x128xf32, #tpu.memory_space<vmem>>, vector<16xf32>,
              tpu.vector_store %arg21[%swap3A_217, %swap3A_218], %mul3A_216 {strides = array<i32>} : memref<32x128xf32, #tpu.memory_space<vmem>>, vector<16xf32>,
              %get3A_220 = arith.index_cast %scan3A_169 : i32 to index
              %get3A_221 = arith.constant 80 : index
              %get3A_222 = tpu.vector_load %arg18[%get3A_220, %get3A_221] {strides = array<i32>} : memref<32x128xf32, #tpu.memory_space<vmem>>, vector<16xf32>,
              %get3A_223 = arith.index_cast %scan3A_169 : i32 to index
              %get3A_224 = arith.constant 80 : index
              %get3A_225 = tpu.vector_load %arg20[%get3A_223, %get3A_224] {strides = array<i32>} : memref<32x128xf32, #tpu.memory_space<vmem>>, vector<16xf32>,
              %mul3A_226 = arith.mulf %get3A_222, %get3A_225 : vector<16xf32>
              %swap3A_227 = arith.index_cast %scan3A_169 : i32 to index
              %swap3A_228 = arith.constant 80 : index
              %swap3A_229 = tpu.vector_load %arg21[%swap3A_227, %swap3A_228] {strides = array<i32>} : memref<32x128xf32, #tpu.memory_space<vmem>>, vector<16xf32>,
              tpu.vector_store %arg21[%swap3A_227, %swap3A_228], %mul3A_226 {strides = array<i32>} : memref<32x128xf32, #tpu.memory_space<vmem>>, vector<16xf32>,
              %get3A_230 = arith.index_cast %scan3A_169 : i32 to index
              %get3A_231 = arith.constant 96 : index
              %get3A_232 = tpu.vector_load %arg18[%get3A_230, %get3A_231] {strides = array<i32>} : memref<32x128xf32, #tpu.memory_space<vmem>>, vector<16xf32>,
              %get3A_233 = arith.index_cast %scan3A_169 : i32 to index
              %get3A_234 = arith.constant 96 : index
              %get3A_235 = tpu.vector_load %arg20[%get3A_233, %get3A_234] {strides = array<i32>} : memref<32x128xf32, #tpu.memory_space<vmem>>, vector<16xf32>,
              %mul3A_236 = arith.mulf %get3A_232, %get3A_235 : vector<16xf32>
              %swap3A_237 = arith.index_cast %scan3A_169 : i32 to index
              %swap3A_238 = arith.constant 96 : index
              %swap3A_239 = tpu.vector_load %arg21[%swap3A_237, %swap3A_238] {strides = array<i32>} : memref<32x128xf32, #tpu.memory_space<vmem>>, vector<16xf32>,
              tpu.vector_store %arg21[%swap3A_237, %swap3A_238], %mul3A_236 {strides = array<i32>} : memref<32x128xf32, #tpu.memory_space<vmem>>, vector<16xf32>,
              %get3A_240 = arith.index_cast %scan3A_169 : i32 to index
              %get3A_241 = arith.constant 112 : index
              %get3A_242 = tpu.vector_load %arg18[%get3A_240, %get3A_241] {strides = array<i32>} : memref<32x128xf32, #tpu.memory_space<vmem>>, vector<16xf32>,
              %get3A_243 = arith.index_cast %scan3A_169 : i32 to index
              %get3A_244 = arith.constant 112 : index
              %get3A_245 = tpu.vector_load %arg20[%get3A_243, %get3A_244] {strides = array<i32>} : memref<32x128xf32, #tpu.memory_space<vmem>>, vector<16xf32>,
              %mul3A_246 = arith.mulf %get3A_242, %get3A_245 : vector<16xf32>
              %swap3A_247 = arith.index_cast %scan3A_169 : i32 to index
              %swap3A_248 = arith.constant 112 : index
              %swap3A_249 = tpu.vector_load %arg21[%swap3A_247, %swap3A_248] {strides = array<i32>} : memref<32x128xf32, #tpu.memory_space<vmem>>, vector<16xf32>,
              tpu.vector_store %arg21[%swap3A_247, %swap3A_248], %mul3A_246 {strides = array<i32>} : memref<32x128xf32, #tpu.memory_space<vmem>>, vector<16xf32>,
              %scan3A_250 = arith.constant 0 : i32
              scf.yield %scan3A_250 : i32
            }
            %scan3A_168 = arith.constant 32 : i32
            "tpu.region"() ({
              %run_scoped3A = tpu.sem_alloc : memref<!tpu.dma_semaphore, #tpu.memory_space<semaphore_mem>>
              %dma_start3A = arith.constant 0 : i32
              %dma_start3A_169 = arith.constant 0 : i32
              %dma_start3A_170 = tpu.memref_slice %arg23[%dma_start3A, %dma_start3A_169] : memref<6408x128xf32, #tpu.memory_space<vmem_shared>> -> memref<6408x128xf32, #tpu.memory_space<vmem_shared>>
              tpu.enqueue_indirect_dma source(%arg21 : memref<32x128xf32, #tpu.memory_space<vmem>>) target(%dma_start3A_170 : memref<6408x128xf32, #tpu.memory_space<vmem_shared>>) offsets(%arg12 : memref<32xi32, #tpu.memory_space<vmem>>) semaphore(%run_scoped3A : memref<!tpu.dma_semaphore, #tpu.memory_space<semaphore_mem>>) {add = true}
              %dma_wait3A_171 = arith.constant 0 : i32
              %dma_wait3A_172 = arith.constant 0 : i32
              %dma_wait3A_173 = tpu.memref_slice %arg23[%dma_wait3A_171, %dma_wait3A_172] : memref<6408x128xf32, #tpu.memory_space<vmem_shared>> -> memref<6408x128xf32, #tpu.memory_space<vmem_shared>>
              tpu.wait_indirect_dma semaphore(%run_scoped3A : memref<!tpu.dma_semaphore, #tpu.memory_space<semaphore_mem>>) src(%arg21 : memref<32x128xf32, #tpu.memory_space<vmem>>) dst(%dma_wait3A_173 : memref<6408x128xf32, #tpu.memory_space<vmem_shared>>)
              tpu.yield
            }) : () -> ()
          } else {
          }
          %while3A_156 = arith.constant 0 : i32
          scf.yield %while3A_156 : i32
        }
        %while3A_130 = arith.constant 1 : i32
        %while3A_131 = scf.for %while3A_133 = %while3A_127 to %while3A_123 step %while3A_130 iter_args(%while3A_134 = %while3A_129) -> (i32)  : i32 {
          %mul3A_135 = arith.constant 2 : i32
          %mul3A_136 = arith.muli %while3A_133, %mul3A_135 : i32
          %add3A_137 = arith.constant 1 : i32
          %add3A_138 = arith.addi %mul3A_136, %add3A_137 : i32
          %lt3A = arith.cmpi slt, %add3A_138, %select_n3A : i32
          %convert_element_type3A_139 = arith.extui %lt3A : i1 to i32
          %cond3A_140 = arith.constant 0 : i32
          %cond3A_141 = arith.cmpi ne, %convert_element_type3A_139, %cond3A_140 : i32
          scf.if %cond3A_141 {
            %mul3A_157 = arith.constant 32 : i32
            %mul3A_158 = arith.muli %add3A_138, %mul3A_157 : i32
            %add3A_159 = arith.constant 0 : i32
            %add3A_160 = arith.addi %mul3A_158, %add3A_159 : i32
            %get3A = arith.index_cast %add3A_160 : i32 to index
            %get3A_161 = tpu.vector_load %arg10[%get3A] {strides = array<i32>} : memref<4064xi32, #tpu.memory_space<vmem>>, vector<16xi32>,
            %add3A_162 = arith.constant 0 : i32
            %add3A_163 = arith.addi %mul3A_158, %add3A_162 : i32
            %get3A_164 = arith.index_cast %add3A_163 : i32 to index
            %get3A_165 = tpu.vector_load %arg9[%get3A_164] {strides = array<i32>} : memref<4064xi32, #tpu.memory_space<vmem>>, vector<16xi32>,
            %swap3A_166 = arith.constant 0 : index
            %swap3A_167 = tpu.vector_load %arg12[%swap3A_166] {strides = array<i32>} : memref<32xi32, #tpu.memory_space<vmem>>, vector<16xi32>,
            tpu.vector_store %arg12[%swap3A_166], %get3A_165 {strides = array<i32>} : memref<32xi32, #tpu.memory_space<vmem>>, vector<16xi32>,
            %swap3A_168 = arith.constant 0 : index
            %swap3A_169 = tpu.vector_load %arg16[%swap3A_168] {strides = array<i32>} : memref<32xi32, #tpu.memory_space<vmem>>, vector<16xi32>,
            tpu.vector_store %arg16[%swap3A_168], %get3A_161 {strides = array<i32>} : memref<32xi32, #tpu.memory_space<vmem>>, vector<16xi32>,
            %sub3A_170 = arith.subi %get3A_161, %broadcast_in_dim3A_92 : vector<16xi32>
            %gather3A = tpu.vector_load_idx %arg8[%sub3A_170] : memref<4000xi32, #tpu.memory_space<vmem>>[vector<16xi32>], vector<16xi32>,
            %swap3A_171 = arith.constant 0 : index
            %swap3A_172 = tpu.vector_load %arg14[%swap3A_171] {strides = array<i32>} : memref<32xi32, #tpu.memory_space<vmem>>, vector<16xi32>,
            tpu.vector_store %arg14[%swap3A_171], %gather3A {strides = array<i32>} : memref<32xi32, #tpu.memory_space<vmem>>, vector<16xi32>,
            %add3A_173 = arith.constant 16 : i32
            %add3A_174 = arith.addi %mul3A_158, %add3A_173 : i32
            %get3A_175 = arith.index_cast %add3A_174 : i32 to index
            %get3A_176 = tpu.vector_load %arg10[%get3A_175] {strides = array<i32>} : memref<4064xi32, #tpu.memory_space<vmem>>, vector<16xi32>,
            %add3A_177 = arith.constant 16 : i32
            %add3A_178 = arith.addi %mul3A_158, %add3A_177 : i32
            %get3A_179 = arith.index_cast %add3A_178 : i32 to index
            %get3A_180 = tpu.vector_load %arg9[%get3A_179] {strides = array<i32>} : memref<4064xi32, #tpu.memory_space<vmem>>, vector<16xi32>,
            %swap3A_181 = arith.constant 16 : index
            %swap3A_182 = tpu.vector_load %arg12[%swap3A_181] {strides = array<i32>} : memref<32xi32, #tpu.memory_space<vmem>>, vector<16xi32>,
            tpu.vector_store %arg12[%swap3A_181], %get3A_180 {strides = array<i32>} : memref<32xi32, #tpu.memory_space<vmem>>, vector<16xi32>,
            %swap3A_183 = arith.constant 16 : index
            %swap3A_184 = tpu.vector_load %arg16[%swap3A_183] {strides = array<i32>} : memref<32xi32, #tpu.memory_space<vmem>>, vector<16xi32>,
            tpu.vector_store %arg16[%swap3A_183], %get3A_176 {strides = array<i32>} : memref<32xi32, #tpu.memory_space<vmem>>, vector<16xi32>,
            %sub3A_185 = arith.subi %get3A_176, %broadcast_in_dim3A_92 : vector<16xi32>
            %gather3A_186 = tpu.vector_load_idx %arg8[%sub3A_185] : memref<4000xi32, #tpu.memory_space<vmem>>[vector<16xi32>], vector<16xi32>,
            %swap3A_187 = arith.constant 16 : index
            %swap3A_188 = tpu.vector_load %arg14[%swap3A_187] {strides = array<i32>} : memref<32xi32, #tpu.memory_space<vmem>>, vector<16xi32>,
            tpu.vector_store %arg14[%swap3A_187], %gather3A_186 {strides = array<i32>} : memref<32xi32, #tpu.memory_space<vmem>>, vector<16xi32>,
            %dma_start3A = arith.constant 0 : i32
            %dma_start3A_189 = arith.constant 0 : i32
            %dma_start3A_190 = tpu.memref_slice %arg2[%dma_start3A, %dma_start3A_189] : memref<320000x128xf32, #tpu.memory_space<hbm>> -> memref<320000x128xf32, #tpu.memory_space<hbm>>
            tpu.enqueue_indirect_dma source(%dma_start3A_190 : memref<320000x128xf32, #tpu.memory_space<hbm>>) target(%arg18 : memref<32x128xf32, #tpu.memory_space<vmem>>) offsets(%arg14 : memref<32xi32, #tpu.memory_space<vmem>>) semaphore(%arg25 : memref<!tpu.dma_semaphore, #tpu.memory_space<semaphore_mem>>)
            %dma_start3A_191 = arith.constant 0 : i32
            %dma_start3A_192 = arith.constant 0 : i32
            %dma_start3A_193 = tpu.memref_slice %arg3[%dma_start3A_191, %dma_start3A_192] : memref<640000x128xf32, #tpu.memory_space<hbm>> -> memref<640000x128xf32, #tpu.memory_space<hbm>>
            tpu.enqueue_indirect_dma source(%dma_start3A_193 : memref<640000x128xf32, #tpu.memory_space<hbm>>) target(%arg20 : memref<32x128xf32, #tpu.memory_space<vmem>>) offsets(%arg16 : memref<32xi32, #tpu.memory_space<vmem>>) semaphore(%arg27 : memref<!tpu.dma_semaphore, #tpu.memory_space<semaphore_mem>>)
          } else {
          }
          %lt3A_142 = arith.cmpi slt, %mul3A_136, %select_n3A : i32
          %convert_element_type3A_143 = arith.extui %lt3A_142 : i1 to i32
          %cond3A_144 = arith.constant 0 : i32
          %cond3A_145 = arith.cmpi ne, %convert_element_type3A_143, %cond3A_144 : i32
          scf.if %cond3A_145 {
            %dma_wait3A = arith.constant 0 : i32
            %dma_wait3A_157 = arith.constant 0 : i32
            %dma_wait3A_158 = tpu.memref_slice %arg2[%dma_wait3A, %dma_wait3A_157] : memref<320000x128xf32, #tpu.memory_space<hbm>> -> memref<320000x128xf32, #tpu.memory_space<hbm>>
            tpu.wait_indirect_dma semaphore(%arg24 : memref<!tpu.dma_semaphore, #tpu.memory_space<semaphore_mem>>) src(%dma_wait3A_158 : memref<320000x128xf32, #tpu.memory_space<hbm>>) dst(%arg17 : memref<32x128xf32, #tpu.memory_space<vmem>>)
            %dma_wait3A_159 = arith.constant 0 : i32
            %dma_wait3A_160 = arith.constant 0 : i32
            %dma_wait3A_161 = tpu.memref_slice %arg3[%dma_wait3A_159, %dma_wait3A_160] : memref<640000x128xf32, #tpu.memory_space<hbm>> -> memref<640000x128xf32, #tpu.memory_space<hbm>>
            tpu.wait_indirect_dma semaphore(%arg26 : memref<!tpu.dma_semaphore, #tpu.memory_space<semaphore_mem>>) src(%dma_wait3A_161 : memref<640000x128xf32, #tpu.memory_space<hbm>>) dst(%arg19 : memref<32x128xf32, #tpu.memory_space<vmem>>)
            %scan3A_162 = arith.constant 0 : i32
            %scan3A_163 = arith.constant 0 : i32
            %scan3A_164 = arith.constant 32 : i32
            %scan3A_165 = arith.addi %scan3A_163, %scan3A_164 : i32
            %scan3A_166 = arith.constant 1 : i32
            %scan3A_167 = scf.for %scan3A_169 = %scan3A_163 to %scan3A_165 step %scan3A_166 iter_args(%scan3A_170 = %scan3A_162) -> (i32)  : i32 {
              %get3A = arith.index_cast %scan3A_169 : i32 to index
              %get3A_171 = arith.constant 0 : index
              %get3A_172 = tpu.vector_load %arg17[%get3A, %get3A_171] {strides = array<i32>} : memref<32x128xf32, #tpu.memory_space<vmem>>, vector<16xf32>,
              %get3A_173 = arith.index_cast %scan3A_169 : i32 to index
              %get3A_174 = arith.constant 0 : index
              %get3A_175 = tpu.vector_load %arg19[%get3A_173, %get3A_174] {strides = array<i32>} : memref<32x128xf32, #tpu.memory_space<vmem>>, vector<16xf32>,
              %mul3A_176 = arith.mulf %get3A_172, %get3A_175 : vector<16xf32>
              %swap3A_177 = arith.index_cast %scan3A_169 : i32 to index
              %swap3A_178 = arith.constant 0 : index
              %swap3A_179 = tpu.vector_load %arg21[%swap3A_177, %swap3A_178] {strides = array<i32>} : memref<32x128xf32, #tpu.memory_space<vmem>>, vector<16xf32>,
              tpu.vector_store %arg21[%swap3A_177, %swap3A_178], %mul3A_176 {strides = array<i32>} : memref<32x128xf32, #tpu.memory_space<vmem>>, vector<16xf32>,
              %get3A_180 = arith.index_cast %scan3A_169 : i32 to index
              %get3A_181 = arith.constant 16 : index
              %get3A_182 = tpu.vector_load %arg17[%get3A_180, %get3A_181] {strides = array<i32>} : memref<32x128xf32, #tpu.memory_space<vmem>>, vector<16xf32>,
              %get3A_183 = arith.index_cast %scan3A_169 : i32 to index
              %get3A_184 = arith.constant 16 : index
              %get3A_185 = tpu.vector_load %arg19[%get3A_183, %get3A_184] {strides = array<i32>} : memref<32x128xf32, #tpu.memory_space<vmem>>, vector<16xf32>,
              %mul3A_186 = arith.mulf %get3A_182, %get3A_185 : vector<16xf32>
              %swap3A_187 = arith.index_cast %scan3A_169 : i32 to index
              %swap3A_188 = arith.constant 16 : index
              %swap3A_189 = tpu.vector_load %arg21[%swap3A_187, %swap3A_188] {strides = array<i32>} : memref<32x128xf32, #tpu.memory_space<vmem>>, vector<16xf32>,
              tpu.vector_store %arg21[%swap3A_187, %swap3A_188], %mul3A_186 {strides = array<i32>} : memref<32x128xf32, #tpu.memory_space<vmem>>, vector<16xf32>,
              %get3A_190 = arith.index_cast %scan3A_169 : i32 to index
              %get3A_191 = arith.constant 32 : index
              %get3A_192 = tpu.vector_load %arg17[%get3A_190, %get3A_191] {strides = array<i32>} : memref<32x128xf32, #tpu.memory_space<vmem>>, vector<16xf32>,
              %get3A_193 = arith.index_cast %scan3A_169 : i32 to index
              %get3A_194 = arith.constant 32 : index
              %get3A_195 = tpu.vector_load %arg19[%get3A_193, %get3A_194] {strides = array<i32>} : memref<32x128xf32, #tpu.memory_space<vmem>>, vector<16xf32>,
              %mul3A_196 = arith.mulf %get3A_192, %get3A_195 : vector<16xf32>
              %swap3A_197 = arith.index_cast %scan3A_169 : i32 to index
              %swap3A_198 = arith.constant 32 : index
              %swap3A_199 = tpu.vector_load %arg21[%swap3A_197, %swap3A_198] {strides = array<i32>} : memref<32x128xf32, #tpu.memory_space<vmem>>, vector<16xf32>,
              tpu.vector_store %arg21[%swap3A_197, %swap3A_198], %mul3A_196 {strides = array<i32>} : memref<32x128xf32, #tpu.memory_space<vmem>>, vector<16xf32>,
              %get3A_200 = arith.index_cast %scan3A_169 : i32 to index
              %get3A_201 = arith.constant 48 : index
              %get3A_202 = tpu.vector_load %arg17[%get3A_200, %get3A_201] {strides = array<i32>} : memref<32x128xf32, #tpu.memory_space<vmem>>, vector<16xf32>,
              %get3A_203 = arith.index_cast %scan3A_169 : i32 to index
              %get3A_204 = arith.constant 48 : index
              %get3A_205 = tpu.vector_load %arg19[%get3A_203, %get3A_204] {strides = array<i32>} : memref<32x128xf32, #tpu.memory_space<vmem>>, vector<16xf32>,
              %mul3A_206 = arith.mulf %get3A_202, %get3A_205 : vector<16xf32>
              %swap3A_207 = arith.index_cast %scan3A_169 : i32 to index
              %swap3A_208 = arith.constant 48 : index
              %swap3A_209 = tpu.vector_load %arg21[%swap3A_207, %swap3A_208] {strides = array<i32>} : memref<32x128xf32, #tpu.memory_space<vmem>>, vector<16xf32>,
              tpu.vector_store %arg21[%swap3A_207, %swap3A_208], %mul3A_206 {strides = array<i32>} : memref<32x128xf32, #tpu.memory_space<vmem>>, vector<16xf32>,
              %get3A_210 = arith.index_cast %scan3A_169 : i32 to index
              %get3A_211 = arith.constant 64 : index
              %get3A_212 = tpu.vector_load %arg17[%get3A_210, %get3A_211] {strides = array<i32>} : memref<32x128xf32, #tpu.memory_space<vmem>>, vector<16xf32>,
              %get3A_213 = arith.index_cast %scan3A_169 : i32 to index
              %get3A_214 = arith.constant 64 : index
              %get3A_215 = tpu.vector_load %arg19[%get3A_213, %get3A_214] {strides = array<i32>} : memref<32x128xf32, #tpu.memory_space<vmem>>, vector<16xf32>,
              %mul3A_216 = arith.mulf %get3A_212, %get3A_215 : vector<16xf32>
              %swap3A_217 = arith.index_cast %scan3A_169 : i32 to index
              %swap3A_218 = arith.constant 64 : index
              %swap3A_219 = tpu.vector_load %arg21[%swap3A_217, %swap3A_218] {strides = array<i32>} : memref<32x128xf32, #tpu.memory_space<vmem>>, vector<16xf32>,
              tpu.vector_store %arg21[%swap3A_217, %swap3A_218], %mul3A_216 {strides = array<i32>} : memref<32x128xf32, #tpu.memory_space<vmem>>, vector<16xf32>,
              %get3A_220 = arith.index_cast %scan3A_169 : i32 to index
              %get3A_221 = arith.constant 80 : index
              %get3A_222 = tpu.vector_load %arg17[%get3A_220, %get3A_221] {strides = array<i32>} : memref<32x128xf32, #tpu.memory_space<vmem>>, vector<16xf32>,
              %get3A_223 = arith.index_cast %scan3A_169 : i32 to index
              %get3A_224 = arith.constant 80 : index
              %get3A_225 = tpu.vector_load %arg19[%get3A_223, %get3A_224] {strides = array<i32>} : memref<32x128xf32, #tpu.memory_space<vmem>>, vector<16xf32>,
              %mul3A_226 = arith.mulf %get3A_222, %get3A_225 : vector<16xf32>
              %swap3A_227 = arith.index_cast %scan3A_169 : i32 to index
              %swap3A_228 = arith.constant 80 : index
              %swap3A_229 = tpu.vector_load %arg21[%swap3A_227, %swap3A_228] {strides = array<i32>} : memref<32x128xf32, #tpu.memory_space<vmem>>, vector<16xf32>,
              tpu.vector_store %arg21[%swap3A_227, %swap3A_228], %mul3A_226 {strides = array<i32>} : memref<32x128xf32, #tpu.memory_space<vmem>>, vector<16xf32>,
              %get3A_230 = arith.index_cast %scan3A_169 : i32 to index
              %get3A_231 = arith.constant 96 : index
              %get3A_232 = tpu.vector_load %arg17[%get3A_230, %get3A_231] {strides = array<i32>} : memref<32x128xf32, #tpu.memory_space<vmem>>, vector<16xf32>,
              %get3A_233 = arith.index_cast %scan3A_169 : i32 to index
              %get3A_234 = arith.constant 96 : index
              %get3A_235 = tpu.vector_load %arg19[%get3A_233, %get3A_234] {strides = array<i32>} : memref<32x128xf32, #tpu.memory_space<vmem>>, vector<16xf32>,
              %mul3A_236 = arith.mulf %get3A_232, %get3A_235 : vector<16xf32>
              %swap3A_237 = arith.index_cast %scan3A_169 : i32 to index
              %swap3A_238 = arith.constant 96 : index
              %swap3A_239 = tpu.vector_load %arg21[%swap3A_237, %swap3A_238] {strides = array<i32>} : memref<32x128xf32, #tpu.memory_space<vmem>>, vector<16xf32>,
              tpu.vector_store %arg21[%swap3A_237, %swap3A_238], %mul3A_236 {strides = array<i32>} : memref<32x128xf32, #tpu.memory_space<vmem>>, vector<16xf32>,
              %get3A_240 = arith.index_cast %scan3A_169 : i32 to index
              %get3A_241 = arith.constant 112 : index
              %get3A_242 = tpu.vector_load %arg17[%get3A_240, %get3A_241] {strides = array<i32>} : memref<32x128xf32, #tpu.memory_space<vmem>>, vector<16xf32>,
              %get3A_243 = arith.index_cast %scan3A_169 : i32 to index
              %get3A_244 = arith.constant 112 : index
              %get3A_245 = tpu.vector_load %arg19[%get3A_243, %get3A_244] {strides = array<i32>} : memref<32x128xf32, #tpu.memory_space<vmem>>, vector<16xf32>,
              %mul3A_246 = arith.mulf %get3A_242, %get3A_245 : vector<16xf32>
              %swap3A_247 = arith.index_cast %scan3A_169 : i32 to index
              %swap3A_248 = arith.constant 112 : index
              %swap3A_249 = tpu.vector_load %arg21[%swap3A_247, %swap3A_248] {strides = array<i32>} : memref<32x128xf32, #tpu.memory_space<vmem>>, vector<16xf32>,
              tpu.vector_store %arg21[%swap3A_247, %swap3A_248], %mul3A_246 {strides = array<i32>} : memref<32x128xf32, #tpu.memory_space<vmem>>, vector<16xf32>,
              %scan3A_250 = arith.constant 0 : i32
              scf.yield %scan3A_250 : i32
            }
            %scan3A_168 = arith.constant 32 : i32
            "tpu.region"() ({
              %run_scoped3A = tpu.sem_alloc : memref<!tpu.dma_semaphore, #tpu.memory_space<semaphore_mem>>
              %dma_start3A = arith.constant 0 : i32
              %dma_start3A_169 = arith.constant 0 : i32
              %dma_start3A_170 = tpu.memref_slice %arg23[%dma_start3A, %dma_start3A_169] : memref<6408x128xf32, #tpu.memory_space<vmem_shared>> -> memref<6408x128xf32, #tpu.memory_space<vmem_shared>>
              tpu.enqueue_indirect_dma source(%arg21 : memref<32x128xf32, #tpu.memory_space<vmem>>) target(%dma_start3A_170 : memref<6408x128xf32, #tpu.memory_space<vmem_shared>>) offsets(%arg11 : memref<32xi32, #tpu.memory_space<vmem>>) semaphore(%run_scoped3A : memref<!tpu.dma_semaphore, #tpu.memory_space<semaphore_mem>>) {add = true}
              %dma_wait3A_171 = arith.constant 0 : i32
              %dma_wait3A_172 = arith.constant 0 : i32
              %dma_wait3A_173 = tpu.memref_slice %arg23[%dma_wait3A_171, %dma_wait3A_172] : memref<6408x128xf32, #tpu.memory_space<vmem_shared>> -> memref<6408x128xf32, #tpu.memory_space<vmem_shared>>
              tpu.wait_indirect_dma semaphore(%run_scoped3A : memref<!tpu.dma_semaphore, #tpu.memory_space<semaphore_mem>>) src(%arg21 : memref<32x128xf32, #tpu.memory_space<vmem>>) dst(%dma_wait3A_173 : memref<6408x128xf32, #tpu.memory_space<vmem_shared>>)
              tpu.yield
            }) : () -> ()
          } else {
          }
          %add3A_146 = arith.constant 2 : i32
          %add3A_147 = arith.addi %mul3A_136, %add3A_146 : i32
          %lt3A_148 = arith.cmpi slt, %add3A_147, %select_n3A : i32
          %convert_element_type3A_149 = arith.extui %lt3A_148 : i1 to i32
          %cond3A_150 = arith.constant 0 : i32
          %cond3A_151 = arith.cmpi ne, %convert_element_type3A_149, %cond3A_150 : i32
          scf.if %cond3A_151 {
            %add3A_157 = arith.constant 2 : i32
            %add3A_158 = arith.addi %mul3A_136, %add3A_157 : i32
            %mul3A_159 = arith.constant 32 : i32
            %mul3A_160 = arith.muli %add3A_158, %mul3A_159 : i32
            %add3A_161 = arith.constant 0 : i32
            %add3A_162 = arith.addi %mul3A_160, %add3A_161 : i32
            %get3A = arith.index_cast %add3A_162 : i32 to index
            %get3A_163 = tpu.vector_load %arg10[%get3A] {strides = array<i32>} : memref<4064xi32, #tpu.memory_space<vmem>>, vector<16xi32>,
            %add3A_164 = arith.constant 0 : i32
            %add3A_165 = arith.addi %mul3A_160, %add3A_164 : i32
            %get3A_166 = arith.index_cast %add3A_165 : i32 to index
            %get3A_167 = tpu.vector_load %arg9[%get3A_166] {strides = array<i32>} : memref<4064xi32, #tpu.memory_space<vmem>>, vector<16xi32>,
            %swap3A_168 = arith.constant 0 : index
            %swap3A_169 = tpu.vector_load %arg11[%swap3A_168] {strides = array<i32>} : memref<32xi32, #tpu.memory_space<vmem>>, vector<16xi32>,
            tpu.vector_store %arg11[%swap3A_168], %get3A_167 {strides = array<i32>} : memref<32xi32, #tpu.memory_space<vmem>>, vector<16xi32>,
            %swap3A_170 = arith.constant 0 : index
            %swap3A_171 = tpu.vector_load %arg15[%swap3A_170] {strides = array<i32>} : memref<32xi32, #tpu.memory_space<vmem>>, vector<16xi32>,
            tpu.vector_store %arg15[%swap3A_170], %get3A_163 {strides = array<i32>} : memref<32xi32, #tpu.memory_space<vmem>>, vector<16xi32>,
            %sub3A_172 = arith.subi %get3A_163, %broadcast_in_dim3A_92 : vector<16xi32>
            %gather3A = tpu.vector_load_idx %arg8[%sub3A_172] : memref<4000xi32, #tpu.memory_space<vmem>>[vector<16xi32>], vector<16xi32>,
            %swap3A_173 = arith.constant 0 : index
            %swap3A_174 = tpu.vector_load %arg13[%swap3A_173] {strides = array<i32>} : memref<32xi32, #tpu.memory_space<vmem>>, vector<16xi32>,
            tpu.vector_store %arg13[%swap3A_173], %gather3A {strides = array<i32>} : memref<32xi32, #tpu.memory_space<vmem>>, vector<16xi32>,
            %add3A_175 = arith.constant 16 : i32
            %add3A_176 = arith.addi %mul3A_160, %add3A_175 : i32
            %get3A_177 = arith.index_cast %add3A_176 : i32 to index
            %get3A_178 = tpu.vector_load %arg10[%get3A_177] {strides = array<i32>} : memref<4064xi32, #tpu.memory_space<vmem>>, vector<16xi32>,
            %add3A_179 = arith.constant 16 : i32
            %add3A_180 = arith.addi %mul3A_160, %add3A_179 : i32
            %get3A_181 = arith.index_cast %add3A_180 : i32 to index
            %get3A_182 = tpu.vector_load %arg9[%get3A_181] {strides = array<i32>} : memref<4064xi32, #tpu.memory_space<vmem>>, vector<16xi32>,
            %swap3A_183 = arith.constant 16 : index
            %swap3A_184 = tpu.vector_load %arg11[%swap3A_183] {strides = array<i32>} : memref<32xi32, #tpu.memory_space<vmem>>, vector<16xi32>,
            tpu.vector_store %arg11[%swap3A_183], %get3A_182 {strides = array<i32>} : memref<32xi32, #tpu.memory_space<vmem>>, vector<16xi32>,
            %swap3A_185 = arith.constant 16 : index
            %swap3A_186 = tpu.vector_load %arg15[%swap3A_185] {strides = array<i32>} : memref<32xi32, #tpu.memory_space<vmem>>, vector<16xi32>,
            tpu.vector_store %arg15[%swap3A_185], %get3A_178 {strides = array<i32>} : memref<32xi32, #tpu.memory_space<vmem>>, vector<16xi32>,
            %sub3A_187 = arith.subi %get3A_178, %broadcast_in_dim3A_92 : vector<16xi32>
            %gather3A_188 = tpu.vector_load_idx %arg8[%sub3A_187] : memref<4000xi32, #tpu.memory_space<vmem>>[vector<16xi32>], vector<16xi32>,
            %swap3A_189 = arith.constant 16 : index
            %swap3A_190 = tpu.vector_load %arg13[%swap3A_189] {strides = array<i32>} : memref<32xi32, #tpu.memory_space<vmem>>, vector<16xi32>,
            tpu.vector_store %arg13[%swap3A_189], %gather3A_188 {strides = array<i32>} : memref<32xi32, #tpu.memory_space<vmem>>, vector<16xi32>,
            %dma_start3A = arith.constant 0 : i32
            %dma_start3A_191 = arith.constant 0 : i32
            %dma_start3A_192 = tpu.memref_slice %arg2[%dma_start3A, %dma_start3A_191] : memref<320000x128xf32, #tpu.memory_space<hbm>> -> memref<320000x128xf32, #tpu.memory_space<hbm>>
            tpu.enqueue_indirect_dma source(%dma_start3A_192 : memref<320000x128xf32, #tpu.memory_space<hbm>>) target(%arg17 : memref<32x128xf32, #tpu.memory_space<vmem>>) offsets(%arg13 : memref<32xi32, #tpu.memory_space<vmem>>) semaphore(%arg24 : memref<!tpu.dma_semaphore, #tpu.memory_space<semaphore_mem>>)
            %dma_start3A_193 = arith.constant 0 : i32
            %dma_start3A_194 = arith.constant 0 : i32
            %dma_start3A_195 = tpu.memref_slice %arg3[%dma_start3A_193, %dma_start3A_194] : memref<640000x128xf32, #tpu.memory_space<hbm>> -> memref<640000x128xf32, #tpu.memory_space<hbm>>
            tpu.enqueue_indirect_dma source(%dma_start3A_195 : memref<640000x128xf32, #tpu.memory_space<hbm>>) target(%arg19 : memref<32x128xf32, #tpu.memory_space<vmem>>) offsets(%arg15 : memref<32xi32, #tpu.memory_space<vmem>>) semaphore(%arg26 : memref<!tpu.dma_semaphore, #tpu.memory_space<semaphore_mem>>)
          } else {
          }
          %lt3A_152 = arith.cmpi slt, %add3A_138, %select_n3A : i32
          %convert_element_type3A_153 = arith.extui %lt3A_152 : i1 to i32
          %cond3A_154 = arith.constant 0 : i32
          %cond3A_155 = arith.cmpi ne, %convert_element_type3A_153, %cond3A_154 : i32
          scf.if %cond3A_155 {
            %dma_wait3A = arith.constant 0 : i32
            %dma_wait3A_157 = arith.constant 0 : i32
            %dma_wait3A_158 = tpu.memref_slice %arg2[%dma_wait3A, %dma_wait3A_157] : memref<320000x128xf32, #tpu.memory_space<hbm>> -> memref<320000x128xf32, #tpu.memory_space<hbm>>
            tpu.wait_indirect_dma semaphore(%arg25 : memref<!tpu.dma_semaphore, #tpu.memory_space<semaphore_mem>>) src(%dma_wait3A_158 : memref<320000x128xf32, #tpu.memory_space<hbm>>) dst(%arg18 : memref<32x128xf32, #tpu.memory_space<vmem>>)
            %dma_wait3A_159 = arith.constant 0 : i32
            %dma_wait3A_160 = arith.constant 0 : i32
            %dma_wait3A_161 = tpu.memref_slice %arg3[%dma_wait3A_159, %dma_wait3A_160] : memref<640000x128xf32, #tpu.memory_space<hbm>> -> memref<640000x128xf32, #tpu.memory_space<hbm>>
            tpu.wait_indirect_dma semaphore(%arg27 : memref<!tpu.dma_semaphore, #tpu.memory_space<semaphore_mem>>) src(%dma_wait3A_161 : memref<640000x128xf32, #tpu.memory_space<hbm>>) dst(%arg20 : memref<32x128xf32, #tpu.memory_space<vmem>>)
            %scan3A_162 = arith.constant 0 : i32
            %scan3A_163 = arith.constant 0 : i32
            %scan3A_164 = arith.constant 32 : i32
            %scan3A_165 = arith.addi %scan3A_163, %scan3A_164 : i32
            %scan3A_166 = arith.constant 1 : i32
            %scan3A_167 = scf.for %scan3A_169 = %scan3A_163 to %scan3A_165 step %scan3A_166 iter_args(%scan3A_170 = %scan3A_162) -> (i32)  : i32 {
              %get3A = arith.index_cast %scan3A_169 : i32 to index
              %get3A_171 = arith.constant 0 : index
              %get3A_172 = tpu.vector_load %arg18[%get3A, %get3A_171] {strides = array<i32>} : memref<32x128xf32, #tpu.memory_space<vmem>>, vector<16xf32>,
              %get3A_173 = arith.index_cast %scan3A_169 : i32 to index
              %get3A_174 = arith.constant 0 : index
              %get3A_175 = tpu.vector_load %arg20[%get3A_173, %get3A_174] {strides = array<i32>} : memref<32x128xf32, #tpu.memory_space<vmem>>, vector<16xf32>,
              %mul3A_176 = arith.mulf %get3A_172, %get3A_175 : vector<16xf32>
              %swap3A_177 = arith.index_cast %scan3A_169 : i32 to index
              %swap3A_178 = arith.constant 0 : index
              %swap3A_179 = tpu.vector_load %arg21[%swap3A_177, %swap3A_178] {strides = array<i32>} : memref<32x128xf32, #tpu.memory_space<vmem>>, vector<16xf32>,
              tpu.vector_store %arg21[%swap3A_177, %swap3A_178], %mul3A_176 {strides = array<i32>} : memref<32x128xf32, #tpu.memory_space<vmem>>, vector<16xf32>,
              %get3A_180 = arith.index_cast %scan3A_169 : i32 to index
              %get3A_181 = arith.constant 16 : index
              %get3A_182 = tpu.vector_load %arg18[%get3A_180, %get3A_181] {strides = array<i32>} : memref<32x128xf32, #tpu.memory_space<vmem>>, vector<16xf32>,
              %get3A_183 = arith.index_cast %scan3A_169 : i32 to index
              %get3A_184 = arith.constant 16 : index
              %get3A_185 = tpu.vector_load %arg20[%get3A_183, %get3A_184] {strides = array<i32>} : memref<32x128xf32, #tpu.memory_space<vmem>>, vector<16xf32>,
              %mul3A_186 = arith.mulf %get3A_182, %get3A_185 : vector<16xf32>
              %swap3A_187 = arith.index_cast %scan3A_169 : i32 to index
              %swap3A_188 = arith.constant 16 : index
              %swap3A_189 = tpu.vector_load %arg21[%swap3A_187, %swap3A_188] {strides = array<i32>} : memref<32x128xf32, #tpu.memory_space<vmem>>, vector<16xf32>,
              tpu.vector_store %arg21[%swap3A_187, %swap3A_188], %mul3A_186 {strides = array<i32>} : memref<32x128xf32, #tpu.memory_space<vmem>>, vector<16xf32>,
              %get3A_190 = arith.index_cast %scan3A_169 : i32 to index
              %get3A_191 = arith.constant 32 : index
              %get3A_192 = tpu.vector_load %arg18[%get3A_190, %get3A_191] {strides = array<i32>} : memref<32x128xf32, #tpu.memory_space<vmem>>, vector<16xf32>,
              %get3A_193 = arith.index_cast %scan3A_169 : i32 to index
              %get3A_194 = arith.constant 32 : index
              %get3A_195 = tpu.vector_load %arg20[%get3A_193, %get3A_194] {strides = array<i32>} : memref<32x128xf32, #tpu.memory_space<vmem>>, vector<16xf32>,
              %mul3A_196 = arith.mulf %get3A_192, %get3A_195 : vector<16xf32>
              %swap3A_197 = arith.index_cast %scan3A_169 : i32 to index
              %swap3A_198 = arith.constant 32 : index
              %swap3A_199 = tpu.vector_load %arg21[%swap3A_197, %swap3A_198] {strides = array<i32>} : memref<32x128xf32, #tpu.memory_space<vmem>>, vector<16xf32>,
              tpu.vector_store %arg21[%swap3A_197, %swap3A_198], %mul3A_196 {strides = array<i32>} : memref<32x128xf32, #tpu.memory_space<vmem>>, vector<16xf32>,
              %get3A_200 = arith.index_cast %scan3A_169 : i32 to index
              %get3A_201 = arith.constant 48 : index
              %get3A_202 = tpu.vector_load %arg18[%get3A_200, %get3A_201] {strides = array<i32>} : memref<32x128xf32, #tpu.memory_space<vmem>>, vector<16xf32>,
              %get3A_203 = arith.index_cast %scan3A_169 : i32 to index
              %get3A_204 = arith.constant 48 : index
              %get3A_205 = tpu.vector_load %arg20[%get3A_203, %get3A_204] {strides = array<i32>} : memref<32x128xf32, #tpu.memory_space<vmem>>, vector<16xf32>,
              %mul3A_206 = arith.mulf %get3A_202, %get3A_205 : vector<16xf32>
              %swap3A_207 = arith.index_cast %scan3A_169 : i32 to index
              %swap3A_208 = arith.constant 48 : index
              %swap3A_209 = tpu.vector_load %arg21[%swap3A_207, %swap3A_208] {strides = array<i32>} : memref<32x128xf32, #tpu.memory_space<vmem>>, vector<16xf32>,
              tpu.vector_store %arg21[%swap3A_207, %swap3A_208], %mul3A_206 {strides = array<i32>} : memref<32x128xf32, #tpu.memory_space<vmem>>, vector<16xf32>,
              %get3A_210 = arith.index_cast %scan3A_169 : i32 to index
              %get3A_211 = arith.constant 64 : index
              %get3A_212 = tpu.vector_load %arg18[%get3A_210, %get3A_211] {strides = array<i32>} : memref<32x128xf32, #tpu.memory_space<vmem>>, vector<16xf32>,
              %get3A_213 = arith.index_cast %scan3A_169 : i32 to index
              %get3A_214 = arith.constant 64 : index
              %get3A_215 = tpu.vector_load %arg20[%get3A_213, %get3A_214] {strides = array<i32>} : memref<32x128xf32, #tpu.memory_space<vmem>>, vector<16xf32>,
              %mul3A_216 = arith.mulf %get3A_212, %get3A_215 : vector<16xf32>
              %swap3A_217 = arith.index_cast %scan3A_169 : i32 to index
              %swap3A_218 = arith.constant 64 : index
              %swap3A_219 = tpu.vector_load %arg21[%swap3A_217, %swap3A_218] {strides = array<i32>} : memref<32x128xf32, #tpu.memory_space<vmem>>, vector<16xf32>,
              tpu.vector_store %arg21[%swap3A_217, %swap3A_218], %mul3A_216 {strides = array<i32>} : memref<32x128xf32, #tpu.memory_space<vmem>>, vector<16xf32>,
              %get3A_220 = arith.index_cast %scan3A_169 : i32 to index
              %get3A_221 = arith.constant 80 : index
              %get3A_222 = tpu.vector_load %arg18[%get3A_220, %get3A_221] {strides = array<i32>} : memref<32x128xf32, #tpu.memory_space<vmem>>, vector<16xf32>,
              %get3A_223 = arith.index_cast %scan3A_169 : i32 to index
              %get3A_224 = arith.constant 80 : index
              %get3A_225 = tpu.vector_load %arg20[%get3A_223, %get3A_224] {strides = array<i32>} : memref<32x128xf32, #tpu.memory_space<vmem>>, vector<16xf32>,
              %mul3A_226 = arith.mulf %get3A_222, %get3A_225 : vector<16xf32>
              %swap3A_227 = arith.index_cast %scan3A_169 : i32 to index
              %swap3A_228 = arith.constant 80 : index
              %swap3A_229 = tpu.vector_load %arg21[%swap3A_227, %swap3A_228] {strides = array<i32>} : memref<32x128xf32, #tpu.memory_space<vmem>>, vector<16xf32>,
              tpu.vector_store %arg21[%swap3A_227, %swap3A_228], %mul3A_226 {strides = array<i32>} : memref<32x128xf32, #tpu.memory_space<vmem>>, vector<16xf32>,
              %get3A_230 = arith.index_cast %scan3A_169 : i32 to index
              %get3A_231 = arith.constant 96 : index
              %get3A_232 = tpu.vector_load %arg18[%get3A_230, %get3A_231] {strides = array<i32>} : memref<32x128xf32, #tpu.memory_space<vmem>>, vector<16xf32>,
              %get3A_233 = arith.index_cast %scan3A_169 : i32 to index
              %get3A_234 = arith.constant 96 : index
              %get3A_235 = tpu.vector_load %arg20[%get3A_233, %get3A_234] {strides = array<i32>} : memref<32x128xf32, #tpu.memory_space<vmem>>, vector<16xf32>,
              %mul3A_236 = arith.mulf %get3A_232, %get3A_235 : vector<16xf32>
              %swap3A_237 = arith.index_cast %scan3A_169 : i32 to index
              %swap3A_238 = arith.constant 96 : index
              %swap3A_239 = tpu.vector_load %arg21[%swap3A_237, %swap3A_238] {strides = array<i32>} : memref<32x128xf32, #tpu.memory_space<vmem>>, vector<16xf32>,
              tpu.vector_store %arg21[%swap3A_237, %swap3A_238], %mul3A_236 {strides = array<i32>} : memref<32x128xf32, #tpu.memory_space<vmem>>, vector<16xf32>,
              %get3A_240 = arith.index_cast %scan3A_169 : i32 to index
              %get3A_241 = arith.constant 112 : index
              %get3A_242 = tpu.vector_load %arg18[%get3A_240, %get3A_241] {strides = array<i32>} : memref<32x128xf32, #tpu.memory_space<vmem>>, vector<16xf32>,
              %get3A_243 = arith.index_cast %scan3A_169 : i32 to index
              %get3A_244 = arith.constant 112 : index
              %get3A_245 = tpu.vector_load %arg20[%get3A_243, %get3A_244] {strides = array<i32>} : memref<32x128xf32, #tpu.memory_space<vmem>>, vector<16xf32>,
              %mul3A_246 = arith.mulf %get3A_242, %get3A_245 : vector<16xf32>
              %swap3A_247 = arith.index_cast %scan3A_169 : i32 to index
              %swap3A_248 = arith.constant 112 : index
              %swap3A_249 = tpu.vector_load %arg21[%swap3A_247, %swap3A_248] {strides = array<i32>} : memref<32x128xf32, #tpu.memory_space<vmem>>, vector<16xf32>,
              tpu.vector_store %arg21[%swap3A_247, %swap3A_248], %mul3A_246 {strides = array<i32>} : memref<32x128xf32, #tpu.memory_space<vmem>>, vector<16xf32>,
              %scan3A_250 = arith.constant 0 : i32
              scf.yield %scan3A_250 : i32
            }
            %scan3A_168 = arith.constant 32 : i32
            "tpu.region"() ({
              %run_scoped3A = tpu.sem_alloc : memref<!tpu.dma_semaphore, #tpu.memory_space<semaphore_mem>>
              %dma_start3A = arith.constant 0 : i32
              %dma_start3A_169 = arith.constant 0 : i32
              %dma_start3A_170 = tpu.memref_slice %arg23[%dma_start3A, %dma_start3A_169] : memref<6408x128xf32, #tpu.memory_space<vmem_shared>> -> memref<6408x128xf32, #tpu.memory_space<vmem_shared>>
              tpu.enqueue_indirect_dma source(%arg21 : memref<32x128xf32, #tpu.memory_space<vmem>>) target(%dma_start3A_170 : memref<6408x128xf32, #tpu.memory_space<vmem_shared>>) offsets(%arg12 : memref<32xi32, #tpu.memory_space<vmem>>) semaphore(%run_scoped3A : memref<!tpu.dma_semaphore, #tpu.memory_space<semaphore_mem>>) {add = true}
              %dma_wait3A_171 = arith.constant 0 : i32
              %dma_wait3A_172 = arith.constant 0 : i32
              %dma_wait3A_173 = tpu.memref_slice %arg23[%dma_wait3A_171, %dma_wait3A_172] : memref<6408x128xf32, #tpu.memory_space<vmem_shared>> -> memref<6408x128xf32, #tpu.memory_space<vmem_shared>>
              tpu.wait_indirect_dma semaphore(%run_scoped3A : memref<!tpu.dma_semaphore, #tpu.memory_space<semaphore_mem>>) src(%arg21 : memref<32x128xf32, #tpu.memory_space<vmem>>) dst(%dma_wait3A_173 : memref<6408x128xf32, #tpu.memory_space<vmem_shared>>)
              tpu.yield
            }) : () -> ()
          } else {
          }
          %while3A_156 = arith.constant 0 : i32
          scf.yield %while3A_156 : i32
        }
        %scan3A_132 = arith.constant 0 : i32
        scf.yield %scan3A_132 : i32
      }
      %scan3A_31 = arith.constant 10 : i32
      %barrier3A_32 = arith.constant 0 : index
      tpu.barrier barrier_id(%barrier3A_32)
      %scan3A_33 = arith.constant 0 : i32
      %scan3A_34 = arith.constant 0 : i32
      %scan3A_35 = arith.constant 10 : i32
      %scan3A_36 = arith.addi %scan3A_34, %scan3A_35 : i32
      %scan3A_37 = arith.constant 1 : i32
      %scan3A_38 = scf.for %scan3A_42 = %scan3A_34 to %scan3A_36 step %scan3A_37 iter_args(%scan3A_43 = %scan3A_33) -> (i32)  : i32 {
        %mul3A_44 = arith.constant 400 : i32
        %mul3A_45 = arith.muli %arg1, %mul3A_44 : i32
        %mul3A_46 = arith.constant 40 : i32
        %mul3A_47 = arith.muli %scan3A_42, %mul3A_46 : i32
        %add3A_48 = arith.addi %mul3A_45, %mul3A_47 : i32
        "tpu.region"() ({
          %run_scoped3A = tpu.sem_alloc : memref<!tpu.dma_semaphore, #tpu.memory_space<semaphore_mem>>
          %dma_start3A = arith.constant 0 : i32
          %dma_start3A_51 = tpu.memref_slice %arg23[%add3A_48, %dma_start3A] : memref<6408x128xf32, #tpu.memory_space<vmem_shared>> -> memref<40x128xf32, #tpu.memory_space<vmem_shared>>
          %dma_start3A_52 = arith.constant 0 : i32
          %dma_start3A_53 = tpu.memref_slice %arg23[%add3A_48, %dma_start3A_52] : memref<6408x128xf32, #tpu.memory_space<vmem_shared>> -> memref<40x128xf32, #tpu.memory_space<vmem_shared>>
          tpu.enqueue_dma source(%dma_start3A_53 : memref<40x128xf32, #tpu.memory_space<vmem_shared>>) target(%arg22 : memref<40x128xf32, #tpu.memory_space<vmem>>) target_semaphore(%run_scoped3A : memref<!tpu.dma_semaphore, #tpu.memory_space<semaphore_mem>>)
          %dma_wait3A = arith.constant 0 : i32
          %dma_wait3A_54 = tpu.memref_slice %arg23[%add3A_48, %dma_wait3A] : memref<6408x128xf32, #tpu.memory_space<vmem_shared>> -> memref<40x128xf32, #tpu.memory_space<vmem_shared>>
          %dma_wait3A_55 = arith.constant 0 : i32
          %dma_wait3A_56 = tpu.memref_slice %arg23[%add3A_48, %dma_wait3A_55] : memref<6408x128xf32, #tpu.memory_space<vmem_shared>> -> memref<40x128xf32, #tpu.memory_space<vmem_shared>>
          tpu.wait_dma2 semaphore(%run_scoped3A : memref<!tpu.dma_semaphore, #tpu.memory_space<semaphore_mem>>) src(%dma_wait3A_56 : memref<40x128xf32, #tpu.memory_space<vmem_shared>>) dst(%arg22 : memref<40x128xf32, #tpu.memory_space<vmem>>)
          tpu.yield
        }) : () -> ()
        %add3A_49 = arith.addi %mul3A_10, %add3A_48 : i32
        "tpu.region"() ({
          %run_scoped3A = tpu.sem_alloc : memref<!tpu.dma_semaphore, #tpu.memory_space<semaphore_mem>>
          %dma_start3A = arith.constant 0 : i32
          %dma_start3A_51 = tpu.memref_slice %arg6[%add3A_49, %dma_start3A] : memref<320000x128xf32, #tpu.memory_space<hbm>> -> memref<40x128xf32, #tpu.memory_space<hbm>>
          %dma_start3A_52 = arith.constant 0 : i32
          %dma_start3A_53 = tpu.memref_slice %arg6[%add3A_49, %dma_start3A_52] : memref<320000x128xf32, #tpu.memory_space<hbm>> -> memref<40x128xf32, #tpu.memory_space<hbm>>
          tpu.enqueue_dma source(%arg22 : memref<40x128xf32, #tpu.memory_space<vmem>>) target(%dma_start3A_53 : memref<40x128xf32, #tpu.memory_space<hbm>>) target_semaphore(%run_scoped3A : memref<!tpu.dma_semaphore, #tpu.memory_space<semaphore_mem>>)
          %dma_wait3A = arith.constant 0 : i32
          %dma_wait3A_54 = tpu.memref_slice %arg6[%add3A_49, %dma_wait3A] : memref<320000x128xf32, #tpu.memory_space<hbm>> -> memref<40x128xf32, #tpu.memory_space<hbm>>
          %dma_wait3A_55 = arith.constant 0 : i32
          %dma_wait3A_56 = tpu.memref_slice %arg6[%add3A_49, %dma_wait3A_55] : memref<320000x128xf32, #tpu.memory_space<hbm>> -> memref<40x128xf32, #tpu.memory_space<hbm>>
          tpu.wait_dma2 semaphore(%run_scoped3A : memref<!tpu.dma_semaphore, #tpu.memory_space<semaphore_mem>>) src(%arg22 : memref<40x128xf32, #tpu.memory_space<vmem>>) dst(%dma_wait3A_56 : memref<40x128xf32, #tpu.memory_space<hbm>>)
          tpu.yield
        }) : () -> ()
        %scan3A_50 = arith.constant 0 : i32
        scf.yield %scan3A_50 : i32
      }
      %scan3A_39 = arith.constant 10 : i32
      %barrier3A_40 = arith.constant 0 : index
      tpu.barrier barrier_id(%barrier3A_40)
      %scan3A_41 = arith.constant 0 : i32
      scf.yield %scan3A_41 : i32
    }
    %scan3A_5 = arith.constant 25 : i32
    return
  }
}

module attributes {stable_mosaic.version = 14 : i64} {
  func.func @_edge_down_body(%arg0: i32, %arg1: memref<2000x128xf32, #tpu.memory_space<vmem>>, %arg2: memref<2000x6xf32, #tpu.memory_space<vmem>>, %arg3: memref<6x8xf32, #tpu.memory_space<vmem>>, %arg4: memref<8x128xf32, #tpu.memory_space<vmem>>, %arg5: memref<128x128xf32, #tpu.memory_space<vmem>>, %arg6: memref<1x128xf32, #tpu.memory_space<vmem>>, %arg7: memref<128x64xf32, #tpu.memory_space<vmem>>, %arg8: memref<2000x128xf32, #tpu.memory_space<vmem>>) attributes {dimension_semantics = [#tpu.dimension_semantics<arbitrary>], iteration_bounds = array<i64: 160>, scalar_prefetch = 0 : i64, scratch_operands = 0 : i64, tpu.core_type = #tpu.core_type<tc>, window_params = [{transform_indices = @transform_0, window_bounds = array<i64: 2000, 128>}, {transform_indices = @transform_1, window_bounds = array<i64: 2000, 6>}, {pipeline_mode = #tpu.pipeline_mode<synchronous>, transform_indices = @transform_2, window_bounds = array<i64: 6, 8>}, {pipeline_mode = #tpu.pipeline_mode<synchronous>, transform_indices = @transform_3, window_bounds = array<i64: 8, 128>}, {pipeline_mode = #tpu.pipeline_mode<synchronous>, transform_indices = @transform_4, window_bounds = array<i64: 128, 128>}, {pipeline_mode = #tpu.pipeline_mode<synchronous>, transform_indices = @transform_5, window_bounds = array<i64: 1, 128>}, {pipeline_mode = #tpu.pipeline_mode<synchronous>, transform_indices = @transform_6, window_bounds = array<i64: 128, 64>}, {transform_indices = @transform_7, window_bounds = array<i64: 2000, 128>}]} {
    %get3A = arith.constant 0 : index
    %get3A_0 = arith.constant 0 : index
    %get3A_1 = vector.load %arg1[%get3A, %get3A_0] : memref<2000x128xf32, #tpu.memory_space<vmem>>, vector<2000x128xf32>
    %get3A_2 = arith.constant 0 : index
    %get3A_3 = arith.constant 0 : index
    %get3A_4 = vector.load %arg5[%get3A_2, %get3A_3] : memref<128x128xf32, #tpu.memory_space<vmem>>, vector<128x128xf32>
    %dot_general3A = arith.constant dense<0.000000e+00> : vector<2000x128xf32>
    %dot_general3A_5 = tpu.matmul %get3A_1, %get3A_4, %dot_general3A {dimension_numbers = #tpu.dot_dimension_numbers<[1], [0], [0], [1], [0, 0, 1, 1], [], []>, transpose_lhs_hint = false} : vector<2000x128xf32>, vector<128x128xf32>, vector<2000x128xf32> -> vector<2000x128xf32>
    %get3A_6 = arith.constant 0 : index
    %get3A_7 = arith.constant 0 : index
    %get3A_8 = vector.load %arg6[%get3A_6, %get3A_7] : memref<1x128xf32, #tpu.memory_space<vmem>>, vector<1x128xf32>
    %add3A = vector.broadcast %get3A_8 : vector<1x128xf32> to vector<2000x128xf32>
    %add3A_9 = arith.addf %dot_general3A_5, %add3A : vector<2000x128xf32>
    %neg3A = arith.constant 0.000000e+00 : f32
    %neg3A_10 = vector.broadcast %neg3A : f32 to vector<2000x128xf32>
    %neg3A_11 = arith.subf %neg3A_10, %add3A_9 : vector<2000x128xf32>
    %exp3A = math.exp %neg3A_11 : vector<2000x128xf32>
    %add3A_12 = arith.constant 1.000000e+00 : f32
    %add3A_13 = vector.broadcast %add3A_12 : f32 to vector<2000x128xf32>
    %add3A_14 = arith.addf %add3A_13, %exp3A : vector<2000x128xf32>
    %div3A = arith.constant 1.000000e+00 : f32
    %div3A_15 = vector.broadcast %div3A : f32 to vector<2000x128xf32>
    %div3A_16 = arith.divf %div3A_15, %add3A_14 : vector<2000x128xf32>
    %mul3A = arith.mulf %add3A_9, %div3A_16 : vector<2000x128xf32>
    %get3A_17 = arith.constant 0 : index
    %get3A_18 = arith.constant 0 : index
    %get3A_19 = vector.load %arg2[%get3A_17, %get3A_18] : memref<2000x6xf32, #tpu.memory_space<vmem>>, vector<2000x6xf32>
    %get3A_20 = arith.constant 0 : index
    %get3A_21 = arith.constant 0 : index
    %get3A_22 = vector.load %arg3[%get3A_20, %get3A_21] : memref<6x8xf32, #tpu.memory_space<vmem>>, vector<6x8xf32>
    %dot_general3A_23 = arith.constant dense<0.000000e+00> : vector<2000x8xf32>
    %dot_general3A_24 = tpu.matmul %get3A_19, %get3A_22, %dot_general3A_23 {dimension_numbers = #tpu.dot_dimension_numbers<[1], [0], [0], [1], [0, 0, 1, 1], [], []>, transpose_lhs_hint = false} : vector<2000x6xf32>, vector<6x8xf32>, vector<2000x8xf32> -> vector<2000x8xf32>
    %get3A_25 = arith.constant 0 : index
    %get3A_26 = arith.constant 0 : index
    %get3A_27 = vector.load %arg4[%get3A_25, %get3A_26] : memref<8x128xf32, #tpu.memory_space<vmem>>, vector<8x128xf32>
    %dot_general3A_28 = arith.constant dense<0.000000e+00> : vector<2000x128xf32>
    %dot_general3A_29 = tpu.matmul %dot_general3A_24, %get3A_27, %dot_general3A_28 {dimension_numbers = #tpu.dot_dimension_numbers<[1], [0], [0], [1], [0, 0, 1, 1], [], []>, transpose_lhs_hint = false} : vector<2000x8xf32>, vector<8x128xf32>, vector<2000x128xf32> -> vector<2000x128xf32>
    %mul3A_30 = arith.mulf %mul3A, %dot_general3A_29 : vector<2000x128xf32>
    %get3A_31 = arith.constant 0 : index
    %get3A_32 = arith.constant 0 : index
    %get3A_33 = vector.load %arg7[%get3A_31, %get3A_32] : memref<128x64xf32, #tpu.memory_space<vmem>>, vector<128x64xf32>
    %dot_general3A_34 = arith.constant dense<0.000000e+00> : vector<2000x64xf32>
    %dot_general3A_35 = tpu.matmul %mul3A_30, %get3A_33, %dot_general3A_34 {dimension_numbers = #tpu.dot_dimension_numbers<[1], [0], [0], [1], [0, 0, 1, 1], [], []>, transpose_lhs_hint = false} : vector<2000x128xf32>, vector<128x64xf32>, vector<2000x64xf32> -> vector<2000x64xf32>
    %neg3A_36 = arith.constant 0.000000e+00 : f32
    %neg3A_37 = vector.broadcast %neg3A_36 : f32 to vector<2000x64xf32>
    %neg3A_38 = arith.subf %neg3A_37, %dot_general3A_35 : vector<2000x64xf32>
    %exp3A_39 = math.exp %neg3A_38 : vector<2000x64xf32>
    %add3A_40 = arith.constant 1.000000e+00 : f32
    %add3A_41 = vector.broadcast %add3A_40 : f32 to vector<2000x64xf32>
    %add3A_42 = arith.addf %add3A_41, %exp3A_39 : vector<2000x64xf32>
    %div3A_43 = arith.constant 1.000000e+00 : f32
    %div3A_44 = vector.broadcast %div3A_43 : f32 to vector<2000x64xf32>
    %div3A_45 = arith.divf %div3A_44, %add3A_42 : vector<2000x64xf32>
    %mul3A_46 = arith.mulf %dot_general3A_35, %div3A_45 : vector<2000x64xf32>
    %broadcast_in_dim3A = arith.constant 0.000000e+00 : f32
    %broadcast_in_dim3A_47 = vector.broadcast %broadcast_in_dim3A : f32 to vector<2000x64xf32>
    %concatenate3A = tpu.concatenate %mul3A_46, %broadcast_in_dim3A_47 in 1 : vector<2000x64xf32>, vector<2000x64xf32> -> vector<2000x128xf32>
    %swap3A = arith.constant 0 : index
    %swap3A_48 = arith.constant 0 : index
    %swap3A_49 = vector.load %arg8[%swap3A, %swap3A_48] : memref<2000x128xf32, #tpu.memory_space<vmem>>, vector<2000x128xf32>
    tpu.vector_store %arg8[%swap3A, %swap3A_48], %concatenate3A {strides = array<i32>} : memref<2000x128xf32, #tpu.memory_space<vmem>>, vector<2000x128xf32>,
    return
  }
  func.func @transform_0(%arg0: i32) -> (i32, i32) {
    %c0_i32 = arith.constant 0 : i32
    %c0_i32_0 = arith.constant 0 : i32
    return %arg0, %c0_i32 : i32, i32
  }
  func.func @transform_1(%arg0: i32) -> (i32, i32) {
    %c0_i32 = arith.constant 0 : i32
    %c0_i32_0 = arith.constant 0 : i32
    return %arg0, %c0_i32 : i32, i32
  }
  func.func @transform_2(%arg0: i32) -> (i32, i32) {
    %c0_i32 = arith.constant 0 : i32
    %c0_i32_0 = arith.constant 0 : i32
    %c0_i32_1 = arith.constant 0 : i32
    return %c0_i32, %c0_i32_0 : i32, i32
  }
  func.func @transform_3(%arg0: i32) -> (i32, i32) {
    %c0_i32 = arith.constant 0 : i32
    %c0_i32_0 = arith.constant 0 : i32
    %c0_i32_1 = arith.constant 0 : i32
    return %c0_i32, %c0_i32_0 : i32, i32
  }
  func.func @transform_4(%arg0: i32) -> (i32, i32) {
    %c0_i32 = arith.constant 0 : i32
    %c0_i32_0 = arith.constant 0 : i32
    %c0_i32_1 = arith.constant 0 : i32
    return %c0_i32, %c0_i32_0 : i32, i32
  }
  func.func @transform_5(%arg0: i32) -> (i32, i32) {
    %c0_i32 = arith.constant 0 : i32
    %c0_i32_0 = arith.constant 0 : i32
    %c0_i32_1 = arith.constant 0 : i32
    return %c0_i32, %c0_i32_0 : i32, i32
  }
  func.func @transform_6(%arg0: i32) -> (i32, i32) {
    %c0_i32 = arith.constant 0 : i32
    %c0_i32_0 = arith.constant 0 : i32
    %c0_i32_1 = arith.constant 0 : i32
    return %c0_i32, %c0_i32_0 : i32, i32
  }
  func.func @transform_7(%arg0: i32) -> (i32, i32) {
    %c0_i32 = arith.constant 0 : i32
    %c0_i32_0 = arith.constant 0 : i32
    return %arg0, %c0_i32 : i32, i32
  }
}

module attributes {stable_mosaic.version = 14 : i64} {
  func.func @_sbf_body(%arg0: i32, %arg1: memref<4000x42xf32, #tpu.memory_space<vmem>>, %arg2: memref<42x8xf32, #tpu.memory_space<vmem>>, %arg3: memref<8x64xf32, #tpu.memory_space<vmem>>, %arg4: memref<4000x128xf32, #tpu.memory_space<vmem>>) attributes {dimension_semantics = [#tpu.dimension_semantics<arbitrary>], iteration_bounds = array<i64: 160>, scalar_prefetch = 0 : i64, scratch_operands = 0 : i64, tpu.core_type = #tpu.core_type<tc>, window_params = [{transform_indices = @transform_0, window_bounds = array<i64: 4000, 42>}, {pipeline_mode = #tpu.pipeline_mode<synchronous>, transform_indices = @transform_1, window_bounds = array<i64: 42, 8>}, {pipeline_mode = #tpu.pipeline_mode<synchronous>, transform_indices = @transform_2, window_bounds = array<i64: 8, 64>}, {transform_indices = @transform_3, window_bounds = array<i64: 4000, 128>}]} {
    %get3A = arith.constant 0 : index
    %get3A_0 = arith.constant 0 : index
    %get3A_1 = vector.load %arg1[%get3A, %get3A_0] : memref<4000x42xf32, #tpu.memory_space<vmem>>, vector<4000x42xf32>
    %get3A_2 = arith.constant 0 : index
    %get3A_3 = arith.constant 0 : index
    %get3A_4 = vector.load %arg2[%get3A_2, %get3A_3] : memref<42x8xf32, #tpu.memory_space<vmem>>, vector<42x8xf32>
    %dot_general3A = arith.constant dense<0.000000e+00> : vector<4000x8xf32>
    %dot_general3A_5 = tpu.matmul %get3A_1, %get3A_4, %dot_general3A {dimension_numbers = #tpu.dot_dimension_numbers<[1], [0], [0], [1], [0, 0, 1, 1], [], []>, transpose_lhs_hint = false} : vector<4000x42xf32>, vector<42x8xf32>, vector<4000x8xf32> -> vector<4000x8xf32>
    %get3A_6 = arith.constant 0 : index
    %get3A_7 = arith.constant 0 : index
    %get3A_8 = vector.load %arg3[%get3A_6, %get3A_7] : memref<8x64xf32, #tpu.memory_space<vmem>>, vector<8x64xf32>
    %dot_general3A_9 = arith.constant dense<0.000000e+00> : vector<4000x64xf32>
    %dot_general3A_10 = tpu.matmul %dot_general3A_5, %get3A_8, %dot_general3A_9 {dimension_numbers = #tpu.dot_dimension_numbers<[1], [0], [0], [1], [0, 0, 1, 1], [], []>, transpose_lhs_hint = false} : vector<4000x8xf32>, vector<8x64xf32>, vector<4000x64xf32> -> vector<4000x64xf32>
    %broadcast_in_dim3A = arith.constant 0.000000e+00 : f32
    %broadcast_in_dim3A_11 = vector.broadcast %broadcast_in_dim3A : f32 to vector<4000x64xf32>
    %concatenate3A = tpu.concatenate %dot_general3A_10, %broadcast_in_dim3A_11 in 1 : vector<4000x64xf32>, vector<4000x64xf32> -> vector<4000x128xf32>
    %swap3A = arith.constant 0 : index
    %swap3A_12 = arith.constant 0 : index
    %swap3A_13 = vector.load %arg4[%swap3A, %swap3A_12] : memref<4000x128xf32, #tpu.memory_space<vmem>>, vector<4000x128xf32>
    tpu.vector_store %arg4[%swap3A, %swap3A_12], %concatenate3A {strides = array<i32>} : memref<4000x128xf32, #tpu.memory_space<vmem>>, vector<4000x128xf32>,
    return
  }
  func.func @transform_0(%arg0: i32) -> (i32, i32) {
    %c0_i32 = arith.constant 0 : i32
    %c0_i32_0 = arith.constant 0 : i32
    return %arg0, %c0_i32 : i32, i32
  }
  func.func @transform_1(%arg0: i32) -> (i32, i32) {
    %c0_i32 = arith.constant 0 : i32
    %c0_i32_0 = arith.constant 0 : i32
    %c0_i32_1 = arith.constant 0 : i32
    return %c0_i32, %c0_i32_0 : i32, i32
  }
  func.func @transform_2(%arg0: i32) -> (i32, i32) {
    %c0_i32 = arith.constant 0 : i32
    %c0_i32_0 = arith.constant 0 : i32
    %c0_i32_1 = arith.constant 0 : i32
    return %c0_i32, %c0_i32_0 : i32, i32
  }
  func.func @transform_3(%arg0: i32) -> (i32, i32) {
    %c0_i32 = arith.constant 0 : i32
    %c0_i32_0 = arith.constant 0 : i32
    return %arg0, %c0_i32 : i32, i32
  }
}

module attributes {stable_mosaic.version = 14 : i64} {
  func.func @_tail_body(%arg0: i32, %arg1: memref<2000x128xf32, #tpu.memory_space<vmem>>, %arg2: memref<2000x128xf32, #tpu.memory_space<vmem>>, %arg3: memref<1x1xf32, #tpu.memory_space<vmem>>, %arg4: memref<128x128xf32, #tpu.memory_space<vmem>>, %arg5: memref<1x128xf32, #tpu.memory_space<vmem>>, %arg6: memref<64x128xf32, #tpu.memory_space<vmem>>, %arg7: memref<128x128xf32, #tpu.memory_space<vmem>>, %arg8: memref<1x128xf32, #tpu.memory_space<vmem>>, %arg9: memref<128x128xf32, #tpu.memory_space<vmem>>, %arg10: memref<1x128xf32, #tpu.memory_space<vmem>>, %arg11: memref<128x128xf32, #tpu.memory_space<vmem>>, %arg12: memref<1x128xf32, #tpu.memory_space<vmem>>, %arg13: memref<128x128xf32, #tpu.memory_space<vmem>>, %arg14: memref<1x128xf32, #tpu.memory_space<vmem>>, %arg15: memref<128x128xf32, #tpu.memory_space<vmem>>, %arg16: memref<1x128xf32, #tpu.memory_space<vmem>>, %arg17: memref<2000x128xf32, #tpu.memory_space<vmem>>) attributes {dimension_semantics = [#tpu.dimension_semantics<arbitrary>], iteration_bounds = array<i64: 160>, scalar_prefetch = 0 : i64, scratch_operands = 0 : i64, tpu.core_type = #tpu.core_type<tc>, window_params = [{transform_indices = @transform_0, window_bounds = array<i64: 2000, 128>}, {transform_indices = @transform_1, window_bounds = array<i64: 2000, 128>}, {pipeline_mode = #tpu.pipeline_mode<synchronous>, transform_indices = @transform_2, window_bounds = array<i64: 1, 1>}, {pipeline_mode = #tpu.pipeline_mode<synchronous>, transform_indices = @transform_3, window_bounds = array<i64: 128, 128>}, {pipeline_mode = #tpu.pipeline_mode<synchronous>, transform_indices = @transform_4, window_bounds = array<i64: 1, 128>}, {pipeline_mode = #tpu.pipeline_mode<synchronous>, transform_indices = @transform_5, window_bounds = array<i64: 64, 128>}, {pipeline_mode = #tpu.pipeline_mode<synchronous>, transform_indices = @transform_6, window_bounds = array<i64: 128, 128>}, {pipeline_mode = #tpu.pipeline_mode<synchronous>, transform_indices = @transform_7, window_bounds = array<i64: 1, 128>}, {pipeline_mode = #tpu.pipeline_mode<synchronous>, transform_indices = @transform_8, window_bounds = array<i64: 128, 128>}, {pipeline_mode = #tpu.pipeline_mode<synchronous>, transform_indices = @transform_9, window_bounds = array<i64: 1, 128>}, {pipeline_mode = #tpu.pipeline_mode<synchronous>, transform_indices = @transform_10, window_bounds = array<i64: 128, 128>}, {pipeline_mode = #tpu.pipeline_mode<synchronous>, transform_indices = @transform_11, window_bounds = array<i64: 1, 128>}, {pipeline_mode = #tpu.pipeline_mode<synchronous>, transform_indices = @transform_12, window_bounds = array<i64: 128, 128>}, {pipeline_mode = #tpu.pipeline_mode<synchronous>, transform_indices = @transform_13, window_bounds = array<i64: 1, 128>}, {pipeline_mode = #tpu.pipeline_mode<synchronous>, transform_indices = @transform_14, window_bounds = array<i64: 128, 128>}, {pipeline_mode = #tpu.pipeline_mode<synchronous>, transform_indices = @transform_15, window_bounds = array<i64: 1, 128>}, {transform_indices = @transform_16, window_bounds = array<i64: 2000, 128>}]} {
    %get3A = arith.constant 0 : index
    %get3A_0 = arith.constant 0 : index
    %get3A_1 = vector.load %arg1[%get3A, %get3A_0] : memref<2000x128xf32, #tpu.memory_space<vmem>>, vector<2000x128xf32>
    %get3A_2 = arith.constant 0 : index
    %get3A_3 = arith.constant 0 : index
    %get3A_4 = vector.load %arg4[%get3A_2, %get3A_3] : memref<128x128xf32, #tpu.memory_space<vmem>>, vector<128x128xf32>
    %dot_general3A = arith.constant dense<0.000000e+00> : vector<2000x128xf32>
    %dot_general3A_5 = tpu.matmul %get3A_1, %get3A_4, %dot_general3A {dimension_numbers = #tpu.dot_dimension_numbers<[1], [0], [0], [1], [0, 0, 1, 1], [], []>, transpose_lhs_hint = false} : vector<2000x128xf32>, vector<128x128xf32>, vector<2000x128xf32> -> vector<2000x128xf32>
    %get3A_6 = arith.constant 0 : index
    %get3A_7 = arith.constant 0 : index
    %get3A_8 = vector.load %arg5[%get3A_6, %get3A_7] : memref<1x128xf32, #tpu.memory_space<vmem>>, vector<1x128xf32>
    %add3A = vector.broadcast %get3A_8 : vector<1x128xf32> to vector<2000x128xf32>
    %add3A_9 = arith.addf %dot_general3A_5, %add3A : vector<2000x128xf32>
    %neg3A = arith.constant 0.000000e+00 : f32
    %neg3A_10 = vector.broadcast %neg3A : f32 to vector<2000x128xf32>
    %neg3A_11 = arith.subf %neg3A_10, %add3A_9 : vector<2000x128xf32>
    %exp3A = math.exp %neg3A_11 : vector<2000x128xf32>
    %add3A_12 = arith.constant 1.000000e+00 : f32
    %add3A_13 = vector.broadcast %add3A_12 : f32 to vector<2000x128xf32>
    %add3A_14 = arith.addf %add3A_13, %exp3A : vector<2000x128xf32>
    %div3A = arith.constant 1.000000e+00 : f32
    %div3A_15 = vector.broadcast %div3A : f32 to vector<2000x128xf32>
    %div3A_16 = arith.divf %div3A_15, %add3A_14 : vector<2000x128xf32>
    %mul3A = arith.mulf %add3A_9, %div3A_16 : vector<2000x128xf32>
    %get3A_17 = arith.constant 0 : index
    %get3A_18 = arith.constant 0 : index
    %get3A_19 = vector.load %arg2[%get3A_17, %get3A_18] : memref<2000x128xf32, #tpu.memory_space<vmem>>, vector<2000x128xf32>
    %slice3A = vector.extract_strided_slice %get3A_19 {offsets = [0, 0], sizes = [2000, 64], strides = [1, 1]} : vector<2000x128xf32> to vector<2000x64xf32>
    %get3A_20 = arith.constant 0 : index
    %get3A_21 = arith.constant 0 : index
    %get3A_22 = vector.load %arg3[%get3A_20, %get3A_21] : memref<1x1xf32, #tpu.memory_space<vmem>>, vector<1x1xf32>
    %get3A_23 = vector.extract %get3A_22[0, 0] : f32 from vector<1x1xf32>
    %mul3A_24 = vector.broadcast %get3A_23 : f32 to vector<2000x64xf32>
    %mul3A_25 = arith.mulf %slice3A, %mul3A_24 : vector<2000x64xf32>
    %get3A_26 = arith.constant 0 : index
    %get3A_27 = arith.constant 0 : index
    %get3A_28 = vector.load %arg6[%get3A_26, %get3A_27] : memref<64x128xf32, #tpu.memory_space<vmem>>, vector<64x128xf32>
    %dot_general3A_29 = arith.constant dense<0.000000e+00> : vector<2000x128xf32>
    %dot_general3A_30 = tpu.matmul %mul3A_25, %get3A_28, %dot_general3A_29 {dimension_numbers = #tpu.dot_dimension_numbers<[1], [0], [0], [1], [0, 0, 1, 1], [], []>, transpose_lhs_hint = false} : vector<2000x64xf32>, vector<64x128xf32>, vector<2000x128xf32> -> vector<2000x128xf32>
    %neg3A_31 = arith.constant 0.000000e+00 : f32
    %neg3A_32 = vector.broadcast %neg3A_31 : f32 to vector<2000x128xf32>
    %neg3A_33 = arith.subf %neg3A_32, %dot_general3A_30 : vector<2000x128xf32>
    %exp3A_34 = math.exp %neg3A_33 : vector<2000x128xf32>
    %add3A_35 = arith.constant 1.000000e+00 : f32
    %add3A_36 = vector.broadcast %add3A_35 : f32 to vector<2000x128xf32>
    %add3A_37 = arith.addf %add3A_36, %exp3A_34 : vector<2000x128xf32>
    %div3A_38 = arith.constant 1.000000e+00 : f32
    %div3A_39 = vector.broadcast %div3A_38 : f32 to vector<2000x128xf32>
    %div3A_40 = arith.divf %div3A_39, %add3A_37 : vector<2000x128xf32>
    %mul3A_41 = arith.mulf %dot_general3A_30, %div3A_40 : vector<2000x128xf32>
    %add3A_42 = arith.addf %mul3A, %mul3A_41 : vector<2000x128xf32>
    %get3A_43 = arith.constant 0 : index
    %get3A_44 = arith.constant 0 : index
    %get3A_45 = vector.load %arg7[%get3A_43, %get3A_44] : memref<128x128xf32, #tpu.memory_space<vmem>>, vector<128x128xf32>
    %dot_general3A_46 = arith.constant dense<0.000000e+00> : vector<2000x128xf32>
    %dot_general3A_47 = tpu.matmul %add3A_42, %get3A_45, %dot_general3A_46 {dimension_numbers = #tpu.dot_dimension_numbers<[1], [0], [0], [1], [0, 0, 1, 1], [], []>, transpose_lhs_hint = false} : vector<2000x128xf32>, vector<128x128xf32>, vector<2000x128xf32> -> vector<2000x128xf32>
    %get3A_48 = arith.constant 0 : index
    %get3A_49 = arith.constant 0 : index
    %get3A_50 = vector.load %arg8[%get3A_48, %get3A_49] : memref<1x128xf32, #tpu.memory_space<vmem>>, vector<1x128xf32>
    %add3A_51 = vector.broadcast %get3A_50 : vector<1x128xf32> to vector<2000x128xf32>
    %add3A_52 = arith.addf %dot_general3A_47, %add3A_51 : vector<2000x128xf32>
    %neg3A_53 = arith.constant 0.000000e+00 : f32
    %neg3A_54 = vector.broadcast %neg3A_53 : f32 to vector<2000x128xf32>
    %neg3A_55 = arith.subf %neg3A_54, %add3A_52 : vector<2000x128xf32>
    %exp3A_56 = math.exp %neg3A_55 : vector<2000x128xf32>
    %add3A_57 = arith.constant 1.000000e+00 : f32
    %add3A_58 = vector.broadcast %add3A_57 : f32 to vector<2000x128xf32>
    %add3A_59 = arith.addf %add3A_58, %exp3A_56 : vector<2000x128xf32>
    %div3A_60 = arith.constant 1.000000e+00 : f32
    %div3A_61 = vector.broadcast %div3A_60 : f32 to vector<2000x128xf32>
    %div3A_62 = arith.divf %div3A_61, %add3A_59 : vector<2000x128xf32>
    %mul3A_63 = arith.mulf %add3A_52, %div3A_62 : vector<2000x128xf32>
    %get3A_64 = arith.constant 0 : index
    %get3A_65 = arith.constant 0 : index
    %get3A_66 = vector.load %arg9[%get3A_64, %get3A_65] : memref<128x128xf32, #tpu.memory_space<vmem>>, vector<128x128xf32>
    %dot_general3A_67 = arith.constant dense<0.000000e+00> : vector<2000x128xf32>
    %dot_general3A_68 = tpu.matmul %mul3A_63, %get3A_66, %dot_general3A_67 {dimension_numbers = #tpu.dot_dimension_numbers<[1], [0], [0], [1], [0, 0, 1, 1], [], []>, transpose_lhs_hint = false} : vector<2000x128xf32>, vector<128x128xf32>, vector<2000x128xf32> -> vector<2000x128xf32>
    %get3A_69 = arith.constant 0 : index
    %get3A_70 = arith.constant 0 : index
    %get3A_71 = vector.load %arg10[%get3A_69, %get3A_70] : memref<1x128xf32, #tpu.memory_space<vmem>>, vector<1x128xf32>
    %add3A_72 = vector.broadcast %get3A_71 : vector<1x128xf32> to vector<2000x128xf32>
    %add3A_73 = arith.addf %dot_general3A_68, %add3A_72 : vector<2000x128xf32>
    %neg3A_74 = arith.constant 0.000000e+00 : f32
    %neg3A_75 = vector.broadcast %neg3A_74 : f32 to vector<2000x128xf32>
    %neg3A_76 = arith.subf %neg3A_75, %add3A_73 : vector<2000x128xf32>
    %exp3A_77 = math.exp %neg3A_76 : vector<2000x128xf32>
    %add3A_78 = arith.constant 1.000000e+00 : f32
    %add3A_79 = vector.broadcast %add3A_78 : f32 to vector<2000x128xf32>
    %add3A_80 = arith.addf %add3A_79, %exp3A_77 : vector<2000x128xf32>
    %div3A_81 = arith.constant 1.000000e+00 : f32
    %div3A_82 = vector.broadcast %div3A_81 : f32 to vector<2000x128xf32>
    %div3A_83 = arith.divf %div3A_82, %add3A_80 : vector<2000x128xf32>
    %mul3A_84 = arith.mulf %add3A_73, %div3A_83 : vector<2000x128xf32>
    %add3A_85 = arith.addf %add3A_42, %mul3A_84 : vector<2000x128xf32>
    %get3A_86 = arith.constant 0 : index
    %get3A_87 = arith.constant 0 : index
    %get3A_88 = vector.load %arg11[%get3A_86, %get3A_87] : memref<128x128xf32, #tpu.memory_space<vmem>>, vector<128x128xf32>
    %dot_general3A_89 = arith.constant dense<0.000000e+00> : vector<2000x128xf32>
    %dot_general3A_90 = tpu.matmul %add3A_85, %get3A_88, %dot_general3A_89 {dimension_numbers = #tpu.dot_dimension_numbers<[1], [0], [0], [1], [0, 0, 1, 1], [], []>, transpose_lhs_hint = false} : vector<2000x128xf32>, vector<128x128xf32>, vector<2000x128xf32> -> vector<2000x128xf32>
    %get3A_91 = arith.constant 0 : index
    %get3A_92 = arith.constant 0 : index
    %get3A_93 = vector.load %arg12[%get3A_91, %get3A_92] : memref<1x128xf32, #tpu.memory_space<vmem>>, vector<1x128xf32>
    %add3A_94 = vector.broadcast %get3A_93 : vector<1x128xf32> to vector<2000x128xf32>
    %add3A_95 = arith.addf %dot_general3A_90, %add3A_94 : vector<2000x128xf32>
    %neg3A_96 = arith.constant 0.000000e+00 : f32
    %neg3A_97 = vector.broadcast %neg3A_96 : f32 to vector<2000x128xf32>
    %neg3A_98 = arith.subf %neg3A_97, %add3A_95 : vector<2000x128xf32>
    %exp3A_99 = math.exp %neg3A_98 : vector<2000x128xf32>
    %add3A_100 = arith.constant 1.000000e+00 : f32
    %add3A_101 = vector.broadcast %add3A_100 : f32 to vector<2000x128xf32>
    %add3A_102 = arith.addf %add3A_101, %exp3A_99 : vector<2000x128xf32>
    %div3A_103 = arith.constant 1.000000e+00 : f32
    %div3A_104 = vector.broadcast %div3A_103 : f32 to vector<2000x128xf32>
    %div3A_105 = arith.divf %div3A_104, %add3A_102 : vector<2000x128xf32>
    %mul3A_106 = arith.mulf %add3A_95, %div3A_105 : vector<2000x128xf32>
    %add3A_107 = arith.addf %mul3A_106, %get3A_1 : vector<2000x128xf32>
    %get3A_108 = arith.constant 0 : index
    %get3A_109 = arith.constant 0 : index
    %get3A_110 = vector.load %arg13[%get3A_108, %get3A_109] : memref<128x128xf32, #tpu.memory_space<vmem>>, vector<128x128xf32>
    %dot_general3A_111 = arith.constant dense<0.000000e+00> : vector<2000x128xf32>
    %dot_general3A_112 = tpu.matmul %add3A_107, %get3A_110, %dot_general3A_111 {dimension_numbers = #tpu.dot_dimension_numbers<[1], [0], [0], [1], [0, 0, 1, 1], [], []>, transpose_lhs_hint = false} : vector<2000x128xf32>, vector<128x128xf32>, vector<2000x128xf32> -> vector<2000x128xf32>
    %get3A_113 = arith.constant 0 : index
    %get3A_114 = arith.constant 0 : index
    %get3A_115 = vector.load %arg14[%get3A_113, %get3A_114] : memref<1x128xf32, #tpu.memory_space<vmem>>, vector<1x128xf32>
    %add3A_116 = vector.broadcast %get3A_115 : vector<1x128xf32> to vector<2000x128xf32>
    %add3A_117 = arith.addf %dot_general3A_112, %add3A_116 : vector<2000x128xf32>
    %neg3A_118 = arith.constant 0.000000e+00 : f32
    %neg3A_119 = vector.broadcast %neg3A_118 : f32 to vector<2000x128xf32>
    %neg3A_120 = arith.subf %neg3A_119, %add3A_117 : vector<2000x128xf32>
    %exp3A_121 = math.exp %neg3A_120 : vector<2000x128xf32>
    %add3A_122 = arith.constant 1.000000e+00 : f32
    %add3A_123 = vector.broadcast %add3A_122 : f32 to vector<2000x128xf32>
    %add3A_124 = arith.addf %add3A_123, %exp3A_121 : vector<2000x128xf32>
    %div3A_125 = arith.constant 1.000000e+00 : f32
    %div3A_126 = vector.broadcast %div3A_125 : f32 to vector<2000x128xf32>
    %div3A_127 = arith.divf %div3A_126, %add3A_124 : vector<2000x128xf32>
    %mul3A_128 = arith.mulf %add3A_117, %div3A_127 : vector<2000x128xf32>
    %get3A_129 = arith.constant 0 : index
    %get3A_130 = arith.constant 0 : index
    %get3A_131 = vector.load %arg15[%get3A_129, %get3A_130] : memref<128x128xf32, #tpu.memory_space<vmem>>, vector<128x128xf32>
    %dot_general3A_132 = arith.constant dense<0.000000e+00> : vector<2000x128xf32>
    %dot_general3A_133 = tpu.matmul %mul3A_128, %get3A_131, %dot_general3A_132 {dimension_numbers = #tpu.dot_dimension_numbers<[1], [0], [0], [1], [0, 0, 1, 1], [], []>, transpose_lhs_hint = false} : vector<2000x128xf32>, vector<128x128xf32>, vector<2000x128xf32> -> vector<2000x128xf32>
    %get3A_134 = arith.constant 0 : index
    %get3A_135 = arith.constant 0 : index
    %get3A_136 = vector.load %arg16[%get3A_134, %get3A_135] : memref<1x128xf32, #tpu.memory_space<vmem>>, vector<1x128xf32>
    %add3A_137 = vector.broadcast %get3A_136 : vector<1x128xf32> to vector<2000x128xf32>
    %add3A_138 = arith.addf %dot_general3A_133, %add3A_137 : vector<2000x128xf32>
    %neg3A_139 = arith.constant 0.000000e+00 : f32
    %neg3A_140 = vector.broadcast %neg3A_139 : f32 to vector<2000x128xf32>
    %neg3A_141 = arith.subf %neg3A_140, %add3A_138 : vector<2000x128xf32>
    %exp3A_142 = math.exp %neg3A_141 : vector<2000x128xf32>
    %add3A_143 = arith.constant 1.000000e+00 : f32
    %add3A_144 = vector.broadcast %add3A_143 : f32 to vector<2000x128xf32>
    %add3A_145 = arith.addf %add3A_144, %exp3A_142 : vector<2000x128xf32>
    %div3A_146 = arith.constant 1.000000e+00 : f32
    %div3A_147 = vector.broadcast %div3A_146 : f32 to vector<2000x128xf32>
    %div3A_148 = arith.divf %div3A_147, %add3A_145 : vector<2000x128xf32>
    %mul3A_149 = arith.mulf %add3A_138, %div3A_148 : vector<2000x128xf32>
    %add3A_150 = arith.addf %add3A_107, %mul3A_149 : vector<2000x128xf32>
    %swap3A = arith.constant 0 : index
    %swap3A_151 = arith.constant 0 : index
    %swap3A_152 = vector.load %arg17[%swap3A, %swap3A_151] : memref<2000x128xf32, #tpu.memory_space<vmem>>, vector<2000x128xf32>
    tpu.vector_store %arg17[%swap3A, %swap3A_151], %add3A_150 {strides = array<i32>} : memref<2000x128xf32, #tpu.memory_space<vmem>>, vector<2000x128xf32>,
    return
  }
  func.func @transform_0(%arg0: i32) -> (i32, i32) {
    %c0_i32 = arith.constant 0 : i32
    %c0_i32_0 = arith.constant 0 : i32
    return %arg0, %c0_i32 : i32, i32
  }
  func.func @transform_1(%arg0: i32) -> (i32, i32) {
    %c0_i32 = arith.constant 0 : i32
    %c0_i32_0 = arith.constant 0 : i32
    return %arg0, %c0_i32 : i32, i32
  }
  func.func @transform_2(%arg0: i32) -> (i32, i32) {
    %c0_i32 = arith.constant 0 : i32
    %c0_i32_0 = arith.constant 0 : i32
    %c0_i32_1 = arith.constant 0 : i32
    return %c0_i32, %c0_i32_0 : i32, i32
  }
  func.func @transform_3(%arg0: i32) -> (i32, i32) {
    %c0_i32 = arith.constant 0 : i32
    %c0_i32_0 = arith.constant 0 : i32
    %c0_i32_1 = arith.constant 0 : i32
    return %c0_i32, %c0_i32_0 : i32, i32
  }
  func.func @transform_4(%arg0: i32) -> (i32, i32) {
    %c0_i32 = arith.constant 0 : i32
    %c0_i32_0 = arith.constant 0 : i32
    %c0_i32_1 = arith.constant 0 : i32
    return %c0_i32, %c0_i32_0 : i32, i32
  }
  func.func @transform_5(%arg0: i32) -> (i32, i32) {
    %c0_i32 = arith.constant 0 : i32
    %c0_i32_0 = arith.constant 0 : i32
    %c0_i32_1 = arith.constant 0 : i32
    return %c0_i32, %c0_i32_0 : i32, i32
  }
  func.func @transform_6(%arg0: i32) -> (i32, i32) {
    %c0_i32 = arith.constant 0 : i32
    %c0_i32_0 = arith.constant 0 : i32
    %c0_i32_1 = arith.constant 0 : i32
    return %c0_i32, %c0_i32_0 : i32, i32
  }
  func.func @transform_7(%arg0: i32) -> (i32, i32) {
    %c0_i32 = arith.constant 0 : i32
    %c0_i32_0 = arith.constant 0 : i32
    %c0_i32_1 = arith.constant 0 : i32
    return %c0_i32, %c0_i32_0 : i32, i32
  }
  func.func @transform_8(%arg0: i32) -> (i32, i32) {
    %c0_i32 = arith.constant 0 : i32
    %c0_i32_0 = arith.constant 0 : i32
    %c0_i32_1 = arith.constant 0 : i32
    return %c0_i32, %c0_i32_0 : i32, i32
  }
  func.func @transform_9(%arg0: i32) -> (i32, i32) {
    %c0_i32 = arith.constant 0 : i32
    %c0_i32_0 = arith.constant 0 : i32
    %c0_i32_1 = arith.constant 0 : i32
    return %c0_i32, %c0_i32_0 : i32, i32
  }
  func.func @transform_10(%arg0: i32) -> (i32, i32) {
    %c0_i32 = arith.constant 0 : i32
    %c0_i32_0 = arith.constant 0 : i32
    %c0_i32_1 = arith.constant 0 : i32
    return %c0_i32, %c0_i32_0 : i32, i32
  }
  func.func @transform_11(%arg0: i32) -> (i32, i32) {
    %c0_i32 = arith.constant 0 : i32
    %c0_i32_0 = arith.constant 0 : i32
    %c0_i32_1 = arith.constant 0 : i32
    return %c0_i32, %c0_i32_0 : i32, i32
  }
  func.func @transform_12(%arg0: i32) -> (i32, i32) {
    %c0_i32 = arith.constant 0 : i32
    %c0_i32_0 = arith.constant 0 : i32
    %c0_i32_1 = arith.constant 0 : i32
    return %c0_i32, %c0_i32_0 : i32, i32
  }
  func.func @transform_13(%arg0: i32) -> (i32, i32) {
    %c0_i32 = arith.constant 0 : i32
    %c0_i32_0 = arith.constant 0 : i32
    %c0_i32_1 = arith.constant 0 : i32
    return %c0_i32, %c0_i32_0 : i32, i32
  }
  func.func @transform_14(%arg0: i32) -> (i32, i32) {
    %c0_i32 = arith.constant 0 : i32
    %c0_i32_0 = arith.constant 0 : i32
    %c0_i32_1 = arith.constant 0 : i32
    return %c0_i32, %c0_i32_0 : i32, i32
  }
  func.func @transform_15(%arg0: i32) -> (i32, i32) {
    %c0_i32 = arith.constant 0 : i32
    %c0_i32_0 = arith.constant 0 : i32
    %c0_i32_1 = arith.constant 0 : i32
    return %c0_i32, %c0_i32_0 : i32, i32
  }
  func.func @transform_16(%arg0: i32) -> (i32, i32) {
    %c0_i32 = arith.constant 0 : i32
    %c0_i32_0 = arith.constant 0 : i32
    return %arg0, %c0_i32 : i32, i32
  }
}

</mosaic_0001>

<sc_bundles>
// kernel: kernel.6.cloned.1.call-start
scs
__scs_entry_jumppad:
0x0: {  	(pc) =	sbr.rel $0x88, $3  }
0x1: {  	(tag) =	ssettag $0x0;
	lr =	simm.s32 $0x1  }
0x2: {  	[smem:$0x3F87] =	sst lr;
	_ =	strace $0xD0000000  }
0x3: {  	_ = 	snop  }
0x4: {  	_ = 	snop  }
0x5: {  	_ = 	snop  }
0x6: {  	_ = 	snop  }
0x7: {  	_ = 	snop  }
__scs_overlays_trampoline_lowered:
0x8: {  	[smem:$0x3F96] =	sst s0  }
0x9: {  	[smem:$0x3F97] =	sst s1  }
0xa: {  	[smem:$0x3F98] =	sst s2  }
0xb: {  	[smem:$0x3F99] =	sst s3  }
0xc: {  	[smem:$0x3F9A] =	sst s4  }
0xd: {  	[smem:$0x3F9B] =	sst s5  }
0xe: {  	[smem:$0x3F9C] =	sst s6  }
0xf: {  	[smem:$0x3F9D] =	sst s7  }
0x10: {  	[smem:$0x3F9E] =	sst s8  }
0x11: {  	[smem:$0x3F9F] =	sst s9;
	s0 =	simm.s32 @!p0 $0x0  }
0x12: {  	s1 =	sld [smem:$0x3F85];
	s0 =	simm.s32 @p0 $0x1  }
0x13: {  	[smem:$0x3FA0] =	sst s0;
	s0 =	simm.s32 @!p1 $0x0  }
0x14: {  	s2 =	sld [smem:$0x3F84];
	s0 =	simm.s32 @p1 $0x1  }
0x15: {  	[smem:$0x3FA1] =	sst s0;
	s0 =	simm.s32 @!p2 $0x0  }
0x16: {  	s3 =	sld [smem:$0x3FDB];
	s0 =	simm.s32 @p2 $0x1  }
0x17: {  	s4 =	simm.s32 $0x1BF5;
	[smem:$0x3FA3] =	sst s0  }
0x18: {  	s0 =	sld [smem:$0x3F86];
	_ =	swait.ge [sflag:s4], $0x0  }
0x19: {  	s7 =	sld [smem:$0x3F87]  }
0x1a: {  	s8 =	sadd.s32 $0xFFFFE003, lr  }
0x1b: {  	s9 =	sadd.s32 $0xFFFFFEF7, lr;
	s5 =	simm.s32 $0xFFFFFFFF;
	p2 =	slt.u32 s8, $0xFFFFF086  }
0x1c: {  	p1 =	slt.u32 s9, $0xF7A;
	s5 =	simm.s32 @!p2 $0x0  }
0x1d: {  	s5 =	simm.s32 @p1 $0x1;
	p0 =	seq.s32 s7, s2  }
0x1e: {  	s7 =	smul.u32 @!p0 $0xF7A, s2;
	p2 =	seq.s32 @!p0 s5, $0x0  }
0x1f: {  	s9 =	smul.u32 $0xF7A, s1;
	s8 =	simm.s32 @!p0 $0x1BF5;
	p2 =	por !p2, p0  }
0x20: {  	[sflag:s8] =	ssyncset.s32 @!p0 $0xFFFFF086;
	s6 =	sadd.s32 @!p0 s3, s7;
	s7 =	simm.s32 @!p0 $0x108  }
0x21: {  	s3 =	sadd.s32 s3, s9;
	s6 =	sadd.s32 @!p0 $0x88, s6;
	s7 =	simm.s32 @p2 $0x1082  }
0x22: {  	[simem:s7], [sflag:s8] =	dma.local @!p0 [hbm:s6], $0xF7A  }
0x23: {  	s9 =	sor.u32 $0xD0000000, s2;
	s6 =	simm.s32 $0x108;
	_ =	swait.ge @!p0 [sflag:s8], $0x0  }
0x24: {  	s3 =	sadd.s32 $0x88, s3;
	s6 =	simm.s32 @!p1 $0x1082;
	[sflag:s4] =	ssyncset.s32 $0xFFFFF086  }
0x25: {  	[simem:s6], [sflag:s4] =	dma.local [hbm:s3], $0xF7A  }
0x26: {  	[smem:$0x3F87] =	sst s1;
	(tag) =	ssettag s2;
	_ =	strace s9  }
0x27: {  	s1 =	sld [smem:$0x3F97]  }
0x28: {  	s2 =	sld [smem:$0x3F98]  }
0x29: {  	s4 =	sld [smem:$0x3F9A]  }
0x2a: {  	p0 =	seq.s32 s5, $0x0;
	s5 =	sld [smem:$0x3F9B]  }
0x2b: {  	s6 =	sld [smem:$0x3F9C]  }
0x2c: {  	s7 =	sld [smem:$0x3F9D]  }
0x2d: {  	s3 =	simm.s32 $0x108;
	s8 =	sld [smem:$0x3F9E]  }
0x2e: {  	s3 =	simm.s32 @!p0 $0x1082;
	s9 =	sld [smem:$0x3F9F]  }
0x2f: {  	lr =	sadd.s32 s0, s3;
	s0 =	sld [smem:$0x3F96]  }
0x30: {  	s3 =	sld [smem:$0x3F99]  }
0x31: {  	[smem:$0x3FA2] =	sst s10  }
0x32: {  	s10 =	sld [smem:$0x3FA0];
	_ =	sdelay $0x3  }
0x33: {  	p0 =	seq.s32 s10, $0x1;
	s10 =	sld [smem:$0x3FA2];
	_ =	sdelay $0x3  }
0x34: {  	[smem:$0x3FA2] =	sst s10  }
0x35: {  	s10 =	sld [smem:$0x3FA1];
	_ =	sdelay $0x3  }
0x36: {  	p1 =	seq.s32 s10, $0x1;
	s10 =	sld [smem:$0x3FA2];
	_ =	sdelay $0x3  }
0x37: {  	[smem:$0x3FA2] =	sst s10  }
0x38: {  	s10 =	sld [smem:$0x3FA3]  }
0x39: {  	_ = 	snop;
	(pc) =	sbr.ind lr, $3  }
0x3a: {  	_ = 	snop  }
0x3b: {  	_ = 	snop  }
0x3c: {  	p2 =	seq.s32 s10, $0x1;
	s10 =	sld [smem:$0x3FA2]  }
0x3d: {  	_ =	shalt  }
0x3e: {  	_ =	shalt  }
0x3f: {  	_ =	shalt  }
0x40: {  	_ =	shalt  }
0x41: {  	_ =	shalt  }
0x42: {  	_ =	shalt  }
0x43: {  	_ =	shalt  }
0x44: {  	_ =	shalt  }
0x45: {  	_ =	shalt  }
0x46: {  	_ =	shalt  }
0x47: {  	_ =	shalt  }
0x48: {  	_ =	shalt  }
0x49: {  	_ =	shalt  }
0x4a: {  	_ =	shalt  }
0x4b: {  	_ =	shalt  }
0x4c: {  	_ =	shalt  }
0x4d: {  	_ =	shalt  }
0x4e: {  	_ =	shalt  }
0x4f: {  	_ =	shalt  }
0x50: {  	_ =	shalt  }
0x51: {  	_ =	shalt  }
0x52: {  	_ =	shalt  }
0x53: {  	_ =	shalt  }
0x54: {  	_ =	shalt  }
0x55: {  	_ =	shalt  }
0x56: {  	_ =	shalt  }
0x57: {  	_ =	shalt  }
0x58: {  	_ =	shalt  }
0x59: {  	_ =	shalt  }
0x5a: {  	_ =	shalt  }
0x5b: {  	_ =	shalt  }
0x5c: {  	_ =	shalt  }
0x5d: {  	_ =	shalt  }
0x5e: {  	_ =	shalt  }
0x5f: {  	_ =	shalt  }
0x60: {  	_ =	shalt  }
0x61: {  	_ =	shalt  }
0x62: {  	_ =	shalt  }
0x63: {  	_ =	shalt  }
0x64: {  	_ =	shalt  }
0x65: {  	_ =	shalt  }
0x66: {  	_ =	shalt  }
0x67: {  	_ =	shalt  }
0x68: {  	_ =	shalt  }
0x69: {  	_ =	shalt  }
0x6a: {  	_ =	shalt  }
0x6b: {  	_ =	shalt  }
0x6c: {  	_ =	shalt  }
0x6d: {  	_ =	shalt  }
0x6e: {  	_ =	shalt  }
0x6f: {  	_ =	shalt  }
0x70: {  	_ =	shalt  }
0x71: {  	_ =	shalt  }
0x72: {  	_ =	shalt  }
0x73: {  	_ =	shalt  }
0x74: {  	_ =	shalt  }
0x75: {  	_ =	shalt  }
0x76: {  	_ =	shalt  }
0x77: {  	_ =	shalt  }
0x78: {  	_ =	shalt  }
0x79: {  	_ =	shalt  }
0x7a: {  	_ =	shalt  }
0x7b: {  	_ =	shalt  }
0x7c: {  	_ =	shalt  }
0x7d: {  	_ =	shalt  }
0x7e: {  	_ =	shalt  }
0x7f: {  	_ =	shalt  }
0x80: {  	_ =	shalt  }
0x81: {  	_ =	shalt  }
0x82: {  	_ =	shalt  }
0x83: {  	_ =	shalt  }
0x84: {  	_ =	shalt  }
0x85: {  	_ =	shalt  }
0x86: {  	_ =	shalt  }
0x87: {  	_ =	shalt  }
.Lfunc_end0:
.L_simem_size_0:
called_computation_lowered:
.L_overlay_start_0:
0x88: {  	s2 =	sld [smem:$0x3FD9]  }
0x89: {  	s3 =	sld [smem:$0x3FFE];
	_ =	sdelay $0x1  }
0x8a: {  	s1 =	srdreg.scid  }
0x8b: {  	s0 =	sand.u32 $0x1, s1  }
0x8c: {  	s17 =	sshll.u32 s0, $0xA;
	s2 =	sadd.s32 s3, s2  }
0x8d: {  	s2 =	sadd.s32 s2, s17  }
0x8e: {  	[smem:$0x3FAE] =	sst s2  }
0x8f: {  	_ = 	snop  }
0x90: {  	s2 =	sld [smem:$0x3FC6]  }
0x91: {  	s18 =	sld [smem:$0x3FC5];
	(tm) =	ssettm $0x1  }
0x92: {  	s4 =	sld [smem:$0x3FFB];
	_ =	sdelay $0x3  }
0x93: {  	_ =	strace s4  }
0x94: {  	s4 =	sld [smem:$0x3FFC];
	_ =	sdelay $0x3  }
0x95: {  	_ =	strace s4  }
0x96: {  	s4 =	sld [smem:$0x3FFD];
	_ =	sdelay $0x3  }
0x97: {  	_ =	strace s4  }
0x98: {  	_ =	strace $0x8FFFFFFF  }
0x99: {  	s19 =	sld [smem:$0x3FDB];
	_ =	sdelay $0x1  }
0x9a: {  	s5 =	simm.s32 $_scs_section_size  }
0x9b: {  	s6 =	simm.s32 $_size__tile_overlayer_lowered;
	s7 =	simm.s32 $_tile_overlayer_lowered  }
0x9c: {  	s22 =	simm.s32 $0x1BFF;
	s21 =	sshll.u32 s7, $0x1;
	s4 =	sadd.s32 s5, s19  }
0x9d: {  	s8 =	simm.s32 $0x0;
	s20 =	sshll.u32 s6, $0x1;
	s6 =	sadd.s32 s21, s4  }
0x9e: {  	[timem:s8], [sflag:s22] =	dma.local [hbm:s6], s20  }
0x9f: {  	_ =	swait.ge [sflag:s22], s20  }
0xa0: {  	s5 =	ssub.s32 $0x0, s20;
	[sflag:s22] =	ssyncset.done $0x0  }
0xa1: {  	[sflag:s22] =	ssyncadd.s32 s5;
	_ =	sdelay $0x1  }
0xa2: {  	s23 =	simm.s32 $0x1B8B  }
0xa3: {  	_ =	swait.ge [sflag:s23], $0x1  }
0xa4: {  	[sflag:s23] =	ssyncset.done $0x0  }
0xa5: {  	s25 =	simm.s32 $0x1B8E;
	s24 =	sld [smem:$0x3FFE];
	[sflag:s23] =	ssyncadd.s32 $0xFFFFFFFF  }
0xa6: {  	s26 =	simm.s32 $execute0_lowered;
	[smem:$0x3FD2] =	sst s25  }
0xa7: {  	s6 =	sshll.u32 s26, $0x1;
	_ =	strace $0x80000046;
	[dreg:$0x1] =	wrdreg $0xFFFFFFFF  }
0xa8: {  	s28 =	simm.s32 $_size_execute0_lowered;
	s4 =	sadd.s32 s4, s6;
	[dreg:$0x0] =	wrdreg $0x0  }
0xa9: {  	s6 =	sshll.u32 s28, $0x1;
	[dreg:$0x2] =	wrdreg s4  }
0xaa: {  	[dreg:$0x3] =	wrdreg s6  }
0xab: {  	[dreg:$0x4] =	wrdreg $0xC0  }
0xac: {  	_ =	task [dreg:s8], $0x5FFFF  }
0xad: {  	[dreg:$0x1] =	wrdreg $0xFFFFFFFF  }
0xae: {  	[dreg:$0x0] =	wrdreg $0x60  }
0xaf: {  	[dreg:$0x2] =	wrdreg s24  }
0xb0: {  	[dreg:$0x3] =	wrdreg s2  }
0xb1: {  	[dreg:$0x4] =	wrdreg s18  }
0xb2: {  	[dreg:$0x5] =	wrdreg $0xA7000  }
0xb3: {  	[dreg:$0x6] =	wrdreg $0x9  }
0xb4: {  	_ =	task.clear_ibuf [dreg:s8], $0x7FFFF;
	_ =	strace $0x90000046  }
0xb5: {  	s29 =	simm.s32 $0x9;
	_ =	strace $0x80000048  }
0xb6: {  	_ =	swait.ge [sflag:s29], $0x1  }
0xb7: {  	[sflag:s29] =	ssyncadd.s32 $0xFFFFFFFF  }
0xb8: {  	_ =	strace $0x90000048  }
0xb9: {  	_ =	sfence  }
0xba: {  	s30 =	sld [smem:$0x0];
	_ =	sdelay $0x2  }
0xbb: {  	s31 =	sshll.u32 s1, $0xD;
	s1 =	sshrl.u32 s1, $0x2  }
0xbc: {  	s3 =	sand.u32 $0x4000, s31;
	s1 =	sadd.s32 s1, s30  }
0xbd: {  	s0 =	sor.u32 s3, s0;
	s1 =	sshll.u32 s1, $0x11  }
0xbe: {  	s0 =	sor.u32 s1, s0  }
0xbf: {  	s0 =	sadd.s32 $0x8F2B, s0  }
0xc0: {  	[sflag:s0] =	ssyncadd.remote.s32 $0x1  }
0xc1: {  	_ =	sfence.sel $0xFFFF  }
0xc2: {  	[dreg:$0x0] =	wrdreg $0xFFFFFFFF;
	(pc) =	sbr.abs _section_cstart, $3  }
0xc3: {  	[dreg:$0x1] =	wrdreg $0xFFFFFFFF  }
0xc4: {  	_ =	task.clear_ibuf [dreg:s8], $0x2FFFF;
	_ =	strace $0x9FFFFFFF  }
0xc5: {  	(tm) =	ssettm $0x7FFFFFFF  }
tec
execute0_lowered:
.L_overlay_start_1:
0x0: {  	(tag) =	ssettag $0x1  }
0x1: {  	s0 =	rddreg [dreg:$0x0]  }
0x2: {  	s1 =	rddreg [dreg:$0x1]  }
0x3: {  	s2 =	rddreg [dreg:$0x2]  }
0x4: {  	s3 =	rddreg [dreg:$0x3];
	s4 =	simm.s32 $0x0  }
0x5: {  	s25 =	srdreg.scid;
	s9 =	stileid.u32;
	s28 =	simm.s32 $0x4  }
0x6: {  	[smem:$0x7FF] =	sst s4;
	s6 =	sadd.s32 $0x3000, s0;
	s4 =	sand.u32 $0x1, s25  }
0x7: {  	s7 =	sadd.s32 $0x9C7800, s0;
	s8 =	smul.u32 $0x32000, s9;
	s0 =	sadd.s32 $0x4E5000, s0  }
0x8: {  	s10 =	smul.u32 $0x190, s9;
	_ =	strace $0x80000047;
	s5 =	ssub.s32 $0x2, s4  }
0x9: {  	[dreg:$0x5] =	wrdreg s0;
	s4 =	smul.u32 $0x19, s4;
	s26 =	sshrl.u32 s5, $0x1  }
0xa: {  	s31 =	sshrl.u32 s8, $0x2;
	s8 =	sadd.s32 $0x78, s10;
	[dreg:$0x6] =	wrdreg s10  }
0xb: {  	s13 =	sadd.s32 $0xA0, s10;
	s14 =	sadd.s32 $0xC8, s10;
	[dreg:$0x7] =	wrdreg s4  }
0xc: {  	s15 =	sadd.s32 $0xF0, s10;
	s20 =	sadd.s32 $0x118, s10;
	[dreg:$0xc] =	wrdreg s8  }
0xd: {  	s21 =	sadd.s32 $0x140, s10;
	s22 =	sadd.s32 $0x168, s10;
	[dreg:$0x10] =	wrdreg s13  }
0xe: {  	s0 =	ssub.s32 s5, s26;
	s18 =	sadd.s32 s31, s3;
	[dreg:$0x11] =	wrdreg s14  }
0xf: {  	s4 =	sadd.s32 $0x28, s10;
	s5 =	sadd.s32 $0x50, s10;
	[dreg:$0x12] =	wrdreg s15  }
0x10: {  	s12 =	sshll.u32 s8, $0x7;
	s16 =	sshll.u32 s14, $0x7;
	[dreg:$0x16] =	wrdreg s20  }
0x11: {  	s17 =	sshll.u32 s15, $0x7;
	[dreg:$0x17] =	wrdreg s21;
	s25 =	sshll.u32 s21, $0x7  }
0x12: {  	[dreg:$0x18] =	wrdreg s22;
	s26 =	sshll.u32 s22, $0x7;
	s22 =	smul.u32 $0x9C40, s9  }
0x13: {  	s10 =	simm.s32 $0x1000;
	s9 =	simm.s32 $0x3000;
	s14 =	simm.s32 $0x1  }
0x14: {  	s15 =	simm.s32 $0x3;
	s21 =	simm.s32 $0x8300;
	[dreg:$0xa] =	wrdreg s4  }
0x15: {  	s0 =	smax.u32 s0, $0x1;
	[dreg:$0xb] =	wrdreg s5;
	s11 =	sshll.u32 s5, $0x7  }
0x16: {  	s29 =	sadd.s32 s12, s3;
	s19 =	sadd.s32 s17, s3;
	[dreg:$0x9] =	wrdreg s18  }
0x17: {  	s31 =	sadd.s32 s26, s3;
	s5 =	simm.s32 $0x9300;
	[dreg:$0x8] =	wrdreg s0  }
0x18: {  	s26 =	simm.s32 $0x2;
	s12 =	simm.s32 $0x4080;
	[dreg:$0x15] =	wrdreg s19  }
0x19: {  	s0 =	sshll.u32 s4, $0x7;
	s24 =	sadd.s32 s11, s3;
	[dreg:$0x1b] =	wrdreg s31  }
0x1a: {  	[dreg:$0xf] =	wrdreg s29;
	s23 =	sadd.s32 s0, s3;
	s0 =	sshll.u32 s13, $0x7  }
0x1b: {  	s11 =	simm.s32 $0x5;
	[dreg:$0xe] =	wrdreg s24;
	s30 =	sadd.s32 s0, s3  }
.Ltmp0:
0x1c: {  	s0 =	sadd.s32 s16, s3;
	[dreg:$0xd] =	wrdreg s23;
	(pc) =	sbr.rel .LBB2_1-.Ltmp0, $4  }
0x1d: {  	s19 =	simm.s32 $0x20;
	[dreg:$0x14] =	wrdreg s0;
	s0 =	sshll.u32 s20, $0x7  }
0x1e: {  	s4 =	simm.s32 $0x0;
	[dreg:$0x13] =	wrdreg s30;
	s0 =	sadd.s32 s0, s3  }
0x1f: {  	v0 =	vimm.f32 $0.0e+00;
	s13 =	simm.s32 $0x2000;
	[dreg:$0x19] =	wrdreg s0;
	s0 =	sadd.s32 s25, s3  }
0x20: {  	v1 =	vimm.s32 $0x0;
	v2 =	vlaneseq.u32;
	v3 =	vimm.s32 $0x1900;
	s20 =	simm.s32 $0x4000;
	s25 =	simm.s32 $0x6;
	[dreg:$0x1a] =	wrdreg s0  }
.LBB2_19:
0x21: {  	s4 =	rddreg [dreg:$0x1c]  }
0x22: {  	s0 =	rddreg [dreg:$0x8];
	s4 =	sadd.s32 $0x1, s4  }
0x23: {  	p0 =	sne.s32 s4, s0  }
.Ltmp1:
0x24: {  	_ = 	snop;
	(pc) =	sbr.rel @!p0 .LBB2_20-.Ltmp1, $1  }
0x25: {  	_ =	sdelay $0x3  }
.LBB2_1:
.Ltmp2:
0x26: {  	(pc) =	sbr.rel .LBB2_2-.Ltmp2, $2  }
0x27: {  	_ =	sdelay $0x2  }
0x28: {  	[dreg:$0x1c] =	wrdreg s4;
	s17 =	simm.s32 $0x0  }
.LBB2_18:
0x29: {  	[bflag:$0x0] =	sbarrier.arrive $0xFFFF  }
0x2a: {  	s18 =	rddreg [dreg:$0x9]  }
0x2b: {  	[tilespmem:s5], [sflag:$0x5] =	stream.linear.gather [spmem:s18], $0x1400, $0x38;
	[tilespmem:$0x16F40] =	vst v63  }
0x2c: {  	_ =	swait.ge [sflag:s11], $0x1400  }
0x2d: {  	s0 =	rddreg [dreg:$0x6]  }
0x2e: {  	s0 =	sadd.s32 s17, s0  }
0x2f: {  	[sflag:s11] =	ssyncset.done $0x0;
	s8 =	rddreg [dreg:$0x5];
	s0 =	sshll.u32 s0, $0x4  }
0x30: {  	s4 =	simm.s32 $0x0;
	[sflag:s11] =	ssyncadd.s32 $0xFFFFEC00;
	s0 =	sadd.s32 s8, s0  }
0x31: {  	[hbm4b:s0+s4] =	stream.linear.scatter [tilespmem:s5], [sflag:$0x5], $0x1400, $0x38;
	[tilespmem:$0x16F40] =	vst v63  }
0x32: {  	_ =	swait.ge [sflag:s11], $0x1400  }
0x33: {  	[sflag:s11] =	ssyncset.done $0x0  }
0x34: {  	s23 =	rddreg [dreg:$0xd];
	[sflag:s11] =	ssyncadd.s32 $0xFFFFEC00  }
0x35: {  	[tilespmem:s5], [sflag:$0x5] =	stream.linear.gather [spmem:s23], $0x1400, $0x38;
	[tilespmem:$0x16F40] =	vst v63  }
0x36: {  	_ =	swait.ge [sflag:s11], $0x1400  }
0x37: {  	s31 =	rddreg [dreg:$0xa]  }
0x38: {  	s0 =	sadd.s32 s17, s31  }
0x39: {  	[sflag:s11] =	ssyncset.done $0x0;
	s0 =	sshll.u32 s0, $0x4  }
0x3a: {  	[sflag:s11] =	ssyncadd.s32 $0xFFFFEC00;
	s0 =	sadd.s32 s8, s0  }
0x3b: {  	[hbm4b:s0+s4] =	stream.linear.scatter [tilespmem:s5], [sflag:$0x5], $0x1400, $0x38;
	[tilespmem:$0x16F40] =	vst v63  }
0x3c: {  	_ =	swait.ge [sflag:s11], $0x1400  }
0x3d: {  	[sflag:s11] =	ssyncset.done $0x0  }
0x3e: {  	s24 =	rddreg [dreg:$0xe];
	[sflag:s11] =	ssyncadd.s32 $0xFFFFEC00  }
0x3f: {  	[tilespmem:s5], [sflag:$0x5] =	stream.linear.gather [spmem:s24], $0x1400, $0x38;
	[tilespmem:$0x16F40] =	vst v63  }
0x40: {  	_ =	swait.ge [sflag:s11], $0x1400  }
0x41: {  	s16 =	rddreg [dreg:$0xb]  }
0x42: {  	s0 =	sadd.s32 s17, s16  }
0x43: {  	[sflag:s11] =	ssyncset.done $0x0;
	s0 =	sshll.u32 s0, $0x4  }
0x44: {  	[sflag:s11] =	ssyncadd.s32 $0xFFFFEC00;
	s0 =	sadd.s32 s8, s0  }
0x45: {  	[hbm4b:s0+s4] =	stream.linear.scatter [tilespmem:s5], [sflag:$0x5], $0x1400, $0x38;
	[tilespmem:$0x16F40] =	vst v63  }
0x46: {  	_ =	swait.ge [sflag:s11], $0x1400  }
0x47: {  	[sflag:s11] =	ssyncset.done $0x0  }
0x48: {  	s29 =	rddreg [dreg:$0xf];
	[sflag:s11] =	ssyncadd.s32 $0xFFFFEC00  }
0x49: {  	[tilespmem:s5], [sflag:$0x5] =	stream.linear.gather [spmem:s29], $0x1400, $0x38;
	[tilespmem:$0x16F40] =	vst v63  }
0x4a: {  	_ =	swait.ge [sflag:s11], $0x1400  }
0x4b: {  	s31 =	rddreg [dreg:$0xc]  }
0x4c: {  	s0 =	sadd.s32 s17, s31  }
0x4d: {  	[sflag:s11] =	ssyncset.done $0x0;
	s0 =	sshll.u32 s0, $0x4  }
0x4e: {  	[sflag:s11] =	ssyncadd.s32 $0xFFFFEC00;
	s0 =	sadd.s32 s8, s0  }
0x4f: {  	[hbm4b:s0+s4] =	stream.linear.scatter [tilespmem:s5], [sflag:$0x5], $0x1400, $0x38;
	[tilespmem:$0x16F40] =	vst v63  }
0x50: {  	_ =	swait.ge [sflag:s11], $0x1400  }
0x51: {  	[sflag:s11] =	ssyncset.done $0x0  }
0x52: {  	s30 =	rddreg [dreg:$0x13];
	[sflag:s11] =	ssyncadd.s32 $0xFFFFEC00  }
0x53: {  	[tilespmem:s5], [sflag:$0x5] =	stream.linear.gather [spmem:s30], $0x1400, $0x38;
	[tilespmem:$0x16F40] =	vst v63  }
0x54: {  	_ =	swait.ge [sflag:s11], $0x1400  }
0x55: {  	s16 =	rddreg [dreg:$0x10]  }
0x56: {  	s0 =	sadd.s32 s17, s16  }
0x57: {  	[sflag:s11] =	ssyncset.done $0x0;
	s0 =	sshll.u32 s0, $0x4  }
0x58: {  	[sflag:s11] =	ssyncadd.s32 $0xFFFFEC00;
	s0 =	sadd.s32 s8, s0  }
0x59: {  	[hbm4b:s0+s4] =	stream.linear.scatter [tilespmem:s5], [sflag:$0x5], $0x1400, $0x38;
	[tilespmem:$0x16F40] =	vst v63  }
0x5a: {  	_ =	swait.ge [sflag:s11], $0x1400  }
0x5b: {  	[sflag:s11] =	ssyncset.done $0x0  }
0x5c: {  	s31 =	rddreg [dreg:$0x14];
	[sflag:s11] =	ssyncadd.s32 $0xFFFFEC00  }
0x5d: {  	[tilespmem:s5], [sflag:$0x5] =	stream.linear.gather [spmem:s31], $0x1400, $0x38;
	[tilespmem:$0x16F40] =	vst v63  }
0x5e: {  	_ =	swait.ge [sflag:s11], $0x1400  }
0x5f: {  	s16 =	rddreg [dreg:$0x11]  }
0x60: {  	s0 =	sadd.s32 s17, s16  }
0x61: {  	[sflag:s11] =	ssyncset.done $0x0;
	s0 =	sshll.u32 s0, $0x4  }
0x62: {  	[sflag:s11] =	ssyncadd.s32 $0xFFFFEC00;
	s0 =	sadd.s32 s8, s0  }
0x63: {  	[hbm4b:s0+s4] =	stream.linear.scatter [tilespmem:s5], [sflag:$0x5], $0x1400, $0x38;
	[tilespmem:$0x16F40] =	vst v63  }
0x64: {  	_ =	swait.ge [sflag:s11], $0x1400  }
0x65: {  	[sflag:s11] =	ssyncset.done $0x0  }
0x66: {  	s31 =	rddreg [dreg:$0x15];
	[sflag:s11] =	ssyncadd.s32 $0xFFFFEC00  }
0x67: {  	[tilespmem:s5], [sflag:$0x5] =	stream.linear.gather [spmem:s31], $0x1400, $0x38;
	[tilespmem:$0x16F40] =	vst v63  }
0x68: {  	_ =	swait.ge [sflag:s11], $0x1400  }
0x69: {  	s16 =	rddreg [dreg:$0x12]  }
0x6a: {  	s0 =	sadd.s32 s17, s16  }
0x6b: {  	[sflag:s11] =	ssyncset.done $0x0;
	s0 =	sshll.u32 s0, $0x4  }
0x6c: {  	[sflag:s11] =	ssyncadd.s32 $0xFFFFEC00;
	s0 =	sadd.s32 s8, s0  }
0x6d: {  	[hbm4b:s0+s4] =	stream.linear.scatter [tilespmem:s5], [sflag:$0x5], $0x1400, $0x38;
	[tilespmem:$0x16F40] =	vst v63  }
0x6e: {  	_ =	swait.ge [sflag:s11], $0x1400  }
0x6f: {  	[sflag:s11] =	ssyncset.done $0x0  }
0x70: {  	s31 =	rddreg [dreg:$0x19];
	[sflag:s11] =	ssyncadd.s32 $0xFFFFEC00  }
0x71: {  	[tilespmem:s5], [sflag:$0x5] =	stream.linear.gather [spmem:s31], $0x1400, $0x38;
	[tilespmem:$0x16F40] =	vst v63  }
0x72: {  	_ =	swait.ge [sflag:s11], $0x1400  }
0x73: {  	s16 =	rddreg [dreg:$0x16]  }
0x74: {  	s0 =	sadd.s32 s17, s16  }
0x75: {  	[sflag:s11] =	ssyncset.done $0x0;
	s0 =	sshll.u32 s0, $0x4  }
0x76: {  	[sflag:s11] =	ssyncadd.s32 $0xFFFFEC00;
	s0 =	sadd.s32 s8, s0  }
0x77: {  	[hbm4b:s0+s4] =	stream.linear.scatter [tilespmem:s5], [sflag:$0x5], $0x1400, $0x38;
	[tilespmem:$0x16F40] =	vst v63  }
0x78: {  	_ =	swait.ge [sflag:s11], $0x1400  }
0x79: {  	[sflag:s11] =	ssyncset.done $0x0  }
0x7a: {  	s31 =	rddreg [dreg:$0x1a];
	[sflag:s11] =	ssyncadd.s32 $0xFFFFEC00  }
0x7b: {  	[tilespmem:s5], [sflag:$0x5] =	stream.linear.gather [spmem:s31], $0x1400, $0x38;
	[tilespmem:$0x16F40] =	vst v63  }
0x7c: {  	_ =	swait.ge [sflag:s11], $0x1400  }
0x7d: {  	s16 =	rddreg [dreg:$0x17]  }
0x7e: {  	s0 =	sadd.s32 s17, s16  }
0x7f: {  	[sflag:s11] =	ssyncset.done $0x0;
	s0 =	sshll.u32 s0, $0x4  }
0x80: {  	[sflag:s11] =	ssyncadd.s32 $0xFFFFEC00;
	s0 =	sadd.s32 s8, s0  }
0x81: {  	[hbm4b:s0+s4] =	stream.linear.scatter [tilespmem:s5], [sflag:$0x5], $0x1400, $0x38;
	[tilespmem:$0x16F40] =	vst v63  }
0x82: {  	_ =	swait.ge [sflag:s11], $0x1400  }
0x83: {  	[sflag:s11] =	ssyncset.done $0x0  }
0x84: {  	s31 =	rddreg [dreg:$0x1b];
	[sflag:s11] =	ssyncadd.s32 $0xFFFFEC00  }
0x85: {  	[tilespmem:s5], [sflag:$0x5] =	stream.linear.gather [spmem:s31], $0x1400, $0x38;
	[tilespmem:$0x16F40] =	vst v63  }
0x86: {  	_ =	swait.ge [sflag:s11], $0x1400  }
0x87: {  	s16 =	rddreg [dreg:$0x18]  }
0x88: {  	s0 =	sadd.s32 s17, s16  }
0x89: {  	[sflag:s11] =	ssyncset.done $0x0;
	s0 =	sshll.u32 s0, $0x4  }
0x8a: {  	[sflag:s11] =	ssyncadd.s32 $0xFFFFEC00;
	s0 =	sadd.s32 s8, s0  }
0x8b: {  	[hbm4b:s0+s4] =	stream.linear.scatter [tilespmem:s5], [sflag:$0x5], $0x1400, $0x38;
	[tilespmem:$0x16F40] =	vst v63  }
0x8c: {  	_ =	swait.ge [sflag:s11], $0x1400  }
0x8d: {  	s31 =	rddreg [dreg:$0x1d]  }
0x8e: {  	s17 =	sadd.s32 $0x1, s31  }
0x8f: {  	p0 =	sne.s32 s17, $0x19  }
.Ltmp3:
0x90: {  	_ = 	snop;
	(pc) =	sbr.rel @!p0 .LBB2_19-.Ltmp3, $3  }
0x91: {  	[sflag:s11] =	ssyncset.done $0x0  }
0x92: {  	[sflag:s11] =	ssyncadd.s32 $0xFFFFEC00  }
0x93: {  	[bflag:$0x0] =	sbarrier.arrive $0xFFFF;
	_ =	sdelay $0x1  }
.LBB2_2:
0x94: {  	s0 =	simm.s32 $0x0  }
0x95: {  	s4 =	sand.u32 $0x7E00, s0  }
0x96: {  	s8 =	sand.u32 $0x70, s0;
	s16 =	sshrl.u32 s4, $0x2  }
0x97: {  	s4 =	simm.s32 $0x40;
	s8 =	sor.u32 s8, s16  }
.LBB2_3:
0x98: {  	p0 =	sne.s32 s4, $0x4FC0  }
0x99: {  	[tilespmem:s8+$0x9300] =	vst v0;
	s0 =	sadd.s32 $0x10, s0;
	s8 =	smov.u32 s4;
	s4 =	sadd.s32 $0x40, s4  }
.Ltmp4:
0x9a: {  	(pc) =	sbr.rel @p0 .LBB2_3-.Ltmp4, $4  }
0x9b: {  	_ = 	snop  }
0x9c: {  	s8 =	sand.u32 $0x7E00, s8  }
0x9d: {  	s16 =	sand.u32 $0x70, s0;
	s8 =	sshrl.u32 s8, $0x2  }
0x9e: {  	s8 =	sor.u32 s16, s8  }
0x9f: {  	[tilespmem:s8+$0x9300] =	vst v0  }
0xa0: {  	[spmem:s18] =	stream.linear.scatter [tilespmem:s5], [sflag:$0x5], $0x1400, $0x38;
	[tilespmem:$0x16F40] =	vst v63  }
0xa1: {  	_ =	swait.ge [sflag:s11], $0x1400  }
0xa2: {  	[sflag:s11] =	ssyncset.done $0x0  }
0xa3: {  	[sflag:s11] =	ssyncadd.s32 $0xFFFFEC00  }
0xa4: {  	[spmem:s23] =	stream.linear.scatter [tilespmem:s5], [sflag:$0x5], $0x1400, $0x38;
	[tilespmem:$0x16F40] =	vst v63  }
0xa5: {  	_ =	swait.ge [sflag:s11], $0x1400  }
0xa6: {  	[sflag:s11] =	ssyncset.done $0x0  }
0xa7: {  	[sflag:s11] =	ssyncadd.s32 $0xFFFFEC00  }
0xa8: {  	[spmem:s24] =	stream.linear.scatter [tilespmem:s5], [sflag:$0x5], $0x1400, $0x38;
	[tilespmem:$0x16F40] =	vst v63  }
0xa9: {  	_ =	swait.ge [sflag:s11], $0x1400  }
0xaa: {  	[sflag:s11] =	ssyncset.done $0x0  }
0xab: {  	[sflag:s11] =	ssyncadd.s32 $0xFFFFEC00  }
0xac: {  	[spmem:s29] =	stream.linear.scatter [tilespmem:s5], [sflag:$0x5], $0x1400, $0x38;
	[tilespmem:$0x16F40] =	vst v63  }
0xad: {  	_ =	swait.ge [sflag:s11], $0x1400  }
0xae: {  	[sflag:s11] =	ssyncset.done $0x0  }
0xaf: {  	[sflag:s11] =	ssyncadd.s32 $0xFFFFEC00  }
0xb0: {  	[spmem:s30] =	stream.linear.scatter [tilespmem:s5], [sflag:$0x5], $0x1400, $0x38;
	[tilespmem:$0x16F40] =	vst v63  }
0xb1: {  	_ =	swait.ge [sflag:s11], $0x1400  }
0xb2: {  	[sflag:s11] =	ssyncset.done $0x0  }
0xb3: {  	s0 =	rddreg [dreg:$0x14];
	[sflag:s11] =	ssyncadd.s32 $0xFFFFEC00  }
0xb4: {  	[spmem:s0] =	stream.linear.scatter [tilespmem:s5], [sflag:$0x5], $0x1400, $0x38;
	[tilespmem:$0x16F40] =	vst v63  }
0xb5: {  	_ =	swait.ge [sflag:s11], $0x1400  }
0xb6: {  	[sflag:s11] =	ssyncset.done $0x0  }
0xb7: {  	s23 =	rddreg [dreg:$0x15];
	[sflag:s11] =	ssyncadd.s32 $0xFFFFEC00  }
0xb8: {  	[spmem:s23] =	stream.linear.scatter [tilespmem:s5], [sflag:$0x5], $0x1400, $0x38;
	[tilespmem:$0x16F40] =	vst v63  }
0xb9: {  	_ =	swait.ge [sflag:s11], $0x1400  }
0xba: {  	[sflag:s11] =	ssyncset.done $0x0  }
0xbb: {  	s24 =	rddreg [dreg:$0x19];
	[sflag:s11] =	ssyncadd.s32 $0xFFFFEC00  }
0xbc: {  	[spmem:s24] =	stream.linear.scatter [tilespmem:s5], [sflag:$0x5], $0x1400, $0x38;
	[tilespmem:$0x16F40] =	vst v63  }
0xbd: {  	_ =	swait.ge [sflag:s11], $0x1400  }
0xbe: {  	[sflag:s11] =	ssyncset.done $0x0  }
0xbf: {  	s29 =	rddreg [dreg:$0x1a];
	[sflag:s11] =	ssyncadd.s32 $0xFFFFEC00  }
0xc0: {  	[spmem:s29] =	stream.linear.scatter [tilespmem:s5], [sflag:$0x5], $0x1400, $0x38;
	[tilespmem:$0x16F40] =	vst v63  }
0xc1: {  	_ =	swait.ge [sflag:s11], $0x1400;
	[dreg:$0x1d] =	wrdreg s17  }
0xc2: {  	[sflag:s11] =	ssyncset.done $0x0;
	s30 =	rddreg [dreg:$0x1b]  }
0xc3: {  	s31 =	rddreg [dreg:$0x7];
	[sflag:s11] =	ssyncadd.s32 $0xFFFFEC00  }
0xc4: {  	[spmem:s30] =	stream.linear.scatter [tilespmem:s5], [sflag:$0x5], $0x1400, $0x38;
	[tilespmem:$0x16F40] =	vst v63  }
.Ltmp5:
0xc5: {  	s0 =	sadd.s32 s31, s17;
	_ =	swait.ge [sflag:s11], $0x1400;
	(pc) =	sbr.rel .LBB2_5-.Ltmp5, $4  }
0xc6: {  	s17 =	smul.u32 $0x1900, s0;
	[sflag:s11] =	ssyncset.done $0x0  }
0xc7: {  	[sflag:s11] =	ssyncadd.s32 $0xFFFFEC00  }
0xc8: {  	v4 =	vmov s17;
	[bflag:$0x0] =	sbarrier.arrive $0xFFFF  }
0xc9: {  	s18 =	simm.s32 $0x0;
	s23 =	simm.s32 $0x0;
	s0 =	smov.u32 s22;
	v5 =	vadd.s32 $0x1900, v4  }
.LBB2_17:
0xca: {  	s23 =	sadd.s32 $0x1, s23  }
0xcb: {  	p0 =	sne.s32 s23, $0xA  }
.Ltmp6:
0xcc: {  	_ = 	snop;
	(pc) =	sbr.rel @!p0 .LBB2_18-.Ltmp6, $2  }
0xcd: {  	_ =	sdelay $0x2  }
0xce: {  	s0 =	sadd.s32 $0xFA0, s0  }
.LBB2_5:
0xcf: {  	s4 =	smul.u32 $0xFA0, s23;
	_ =	sdelay $0x1  }
0xd0: {  	s24 =	sadd.s32 s22, s4  }
0xd1: {  	s4 =	sshrl.u32 s24, $0x3  }
0xd2: {  	s8 =	sadd.s32 s2, s4  }
0xd3: {  	[tilespmem:s18], [sflag:$0x5] =	stream.linear.gather [hbm4b:s8+s18], $0xFA0, $0x38;
	[tilespmem:$0x16F40] =	vst v63  }
0xd4: {  	_ =	swait.ge [sflag:s11], $0xFA0  }
0xd5: {  	[sflag:s11] =	ssyncset.done $0x0  }
0xd6: {  	s4 =	sadd.s32 s1, s4;
	[sflag:s11] =	ssyncadd.s32 $0xFFFFF060  }
0xd7: {  	[tilespmem:s10], [sflag:$0x5] =	stream.linear.gather [hbm4b:s4+s18], $0xFA0, $0x38;
	[tilespmem:$0x16F40] =	vst v63  }
0xd8: {  	_ =	swait.ge [sflag:s11], $0xFA0  }
0xd9: {  	s29 =	simm.s32 $0x20;
	[sflag:s11] =	ssyncset.done $0x0  }
0xda: {  	s30 =	simm.s32 $0x0;
	s8 =	simm.s32 $0x0;
	[sflag:s11] =	ssyncadd.s32 $0xFFFFF060  }
.LBB2_6:
0xdb: {  	v6 =	vld [tilespmem:s29+$0xFFFFFFE0];
	_ =	sdelay $0x4  }
0xdc: {  	vm0 =	vge.s32 v6, v4;
	vm1 =	vlt.s32 v6, v5  }
0xdd: {  	vm0 =	vmand vm0, vm1  }
0xde: {  	v7 =	vsel vm0, $0x1, v1  }
0xdf: {  	(xrf0) =	vadd.scan.msk.s32 $0xffff, v7;
	_ =	sdelay $0x5  }
0xe0: {  	s4 =	sadd.s32 $0xFFFFFFFF, s8;
	v7, _, _ =	vpop (xrf0)  }
0xe1: {  	v7 =	vadd.s32 s4, v7;
	_ =	sdelay $0x1  }
0xe2: {  	v8 =	vmpcnt.ones.xlane vm0;
	_ =	sdelay $0x1  }
0xe3: {  	v6 =	vsub.s32 v6, v4;
	(v2sf) =	vpush v8, $0x0;
	s4 =	sadd.s32 s30, s0  }
0xe4: {  	v57 =	vor.u32 s4, v2;
	[tilespmem:v7+s13+$0x0] =	vst.idx.msk vm0, v6  }
0xe5: {  	[tilespmem:v7+s9+$0x0] =	vst.idx.msk vm0, v57  }
0xe6: {  	v6 =	vld [tilespmem:s29+$0xFFFFFFF0];
	_ =	sdelay $0x4  }
0xe7: {  	vm8 =	vge.s32 v6, v4;
	vm9 =	vlt.s32 v6, v5  }
0xe8: {  	vm0 =	vmand vm8, vm9  }
0xe9: {  	v7 =	vsel vm0, $0x1, v1  }
0xea: {  	(xrf0) =	vadd.scan.msk.s32 $0xffff, v7;
	_ =	sdelay $0x3  }
0xeb: {  	s16 =	spop (v2sf)  }
0xec: {  	s8 =	sadd.s32 s8, s16  }
0xed: {  	s16 =	sadd.s32 $0xFFFFFFFF, s8;
	v7, _, _ =	vpop (xrf0)  }
0xee: {  	v7 =	vadd.s32 s16, v7;
	_ =	sdelay $0x1  }
0xef: {  	v58 =	vmpcnt.ones.xlane vm0;
	_ =	sdelay $0x1  }
0xf0: {  	s31 =	sadd.s32 $0x10, s4;
	v6 =	vsub.s32 v6, v4;
	(v2sf) =	vpush v58, $0x0  }
0xf1: {  	v59 =	vor.u32 s31, v2;
	[tilespmem:v7+s13+$0x0] =	vst.idx.msk vm0, v6  }
0xf2: {  	[tilespmem:v7+s9+$0x0] =	vst.idx.msk vm0, v59  }
0xf3: {  	v6 =	vld [tilespmem:s29+$0x0];
	_ =	sdelay $0x4  }
0xf4: {  	vm10 =	vge.s32 v6, v4;
	vm11 =	vlt.s32 v6, v5  }
0xf5: {  	vm0 =	vmand vm10, vm11  }
0xf6: {  	v7 =	vsel vm0, $0x1, v1  }
0xf7: {  	(xrf0) =	vadd.scan.msk.s32 $0xffff, v7;
	_ =	sdelay $0x3  }
0xf8: {  	s31 =	spop (v2sf)  }
0xf9: {  	s8 =	sadd.s32 s8, s31  }
0xfa: {  	s16 =	sadd.s32 $0xFFFFFFFF, s8;
	v7, _, _ =	vpop (xrf0)  }
0xfb: {  	v7 =	vadd.s32 s16, v7;
	_ =	sdelay $0x1  }
0xfc: {  	v60 =	vmpcnt.ones.xlane vm0;
	_ =	sdelay $0x1  }
0xfd: {  	s31 =	sadd.s32 $0x20, s4;
	v6 =	vsub.s32 v6, v4;
	(v2sf) =	vpush v60, $0x0  }
0xfe: {  	v61 =	vor.u32 s31, v2;
	[tilespmem:v7+s13+$0x0] =	vst.idx.msk vm0, v6  }
0xff: {  	[tilespmem:v7+s9+$0x0] =	vst.idx.msk vm0, v61  }
0x100: {  	v6 =	vld [tilespmem:s29+$0x10];
	_ =	sdelay $0x4  }
0x101: {  	vm12 =	vge.s32 v6, v4;
	vm13 =	vlt.s32 v6, v5  }
0x102: {  	vm0 =	vmand vm12, vm13  }
0x103: {  	v7 =	vsel vm0, $0x1, v1  }
0x104: {  	(xrf0) =	vadd.scan.msk.s32 $0xffff, v7;
	_ =	sdelay $0x3  }
0x105: {  	s31 =	spop (v2sf)  }
0x106: {  	s8 =	sadd.s32 s8, s31  }
0x107: {  	s16 =	sadd.s32 $0xFFFFFFFF, s8;
	v7, _, _ =	vpop (xrf0)  }
0x108: {  	v7 =	vadd.s32 s16, v7;
	_ =	sdelay $0x3  }
0x109: {  	s31 =	sadd.s32 $0x30, s4;
	v6 =	vsub.s32 v6, v4  }
0x10a: {  	v62 =	vor.u32 s31, v2;
	[tilespmem:v7+s13+$0x0] =	vst.idx.msk vm0, v6  }
0x10b: {  	v6 =	vmpcnt.ones.xlane vm0;
	[tilespmem:v7+s9+$0x0] =	vst.idx.msk vm0, v62  }
0x10c: {  	v7 =	vld [tilespmem:s29+$0x20]  }
0x10d: {  	(v2sf) =	vpush v6, $0x0;
	_ =	sdelay $0x3  }
0x10e: {  	vm14 =	vge.s32 v7, v4;
	vm15 =	vlt.s32 v7, v5  }
0x10f: {  	vm0 =	vmand vm14, vm15  }
0x110: {  	v6 =	vmpcnt.ones.xlane vm0;
	_ =	sdelay $0x1  }
0x111: {  	(v2sf) =	vpush v6, $0x0;
	_ =	sdelay $0x1  }
0x112: {  	v6 =	vsel vm0, $0x1, v1  }
0x113: {  	(xrf0) =	vadd.scan.msk.s32 $0xffff, v6;
	_ =	sdelay $0x3  }
0x114: {  	s31 =	spop (v2sf)  }
0x115: {  	s8 =	sadd.s32 s8, s31  }
0x116: {  	v6, _, _ =	vpop (xrf0);
	s16 =	sadd.s32 $0xFFFFFFFF, s8  }
0x117: {  	v6 =	vadd.s32 s16, v6  }
0x118: {  	p0 =	sne.s32 s30, $0xF50  }
.Ltmp7:
0x119: {  	_ = 	snop;
	(pc) =	sbr.rel @p0 .LBB2_6-.Ltmp7, $4  }
0x11a: {  	_ = 	snop  }
0x11b: {  	s4 =	sadd.s32 $0x40, s4;
	v7 =	vsub.s32 v7, v4  }
0x11c: {  	v63 =	vor.u32 s4, v2;
	[tilespmem:v6+s13+$0x0] =	vst.idx.msk vm0, v7;
	s31 =	spop (v2sf)  }
0x11d: {  	s30 =	sadd.s32 $0x50, s30;
	s29 =	sadd.s32 $0x50, s29;
	[tilespmem:v6+s9+$0x0] =	vst.idx.msk vm0, v63;
	s8 =	sadd.s32 s8, s31  }
0x11e: {  	s4 =	sadd.s32 $0x1F, s8  }
0x11f: {  	s16 =	sand.u32 $0x1F, s4  }
0x120: {  	s31 =	sshra.s32 s4, $0x1F;
	p1 =	slt.s32 s4, $0x1;
	p0 =	sne.s32 s16, $0x0  }
0x121: {  	s16 =	sshrl.u32 s31, $0x1B;
	p0 =	por !p1, !p0  }
0x122: {  	[tilespmem:s8+$0x2000] =	vst v3;
	s4 =	sadd.s32 s16, s4;
	s16 =	simm.s32 $0x1;
	p0 =	por !p0, !p0  }
0x123: {  	v6 =	vmov s24;
	[tilespmem:s8+$0x2010] =	vst v3;
	s4 =	sshra.s32 s4, $0x5;
	s16 =	simm.s32 @!p0 $0x0  }
0x124: {  	[tilespmem:s8+$0x3000] =	vst v6;
	s24 =	ssub.s32 s4, s16  }
0x125: {  	[tilespmem:s8+$0x3010] =	vst v6;
	p0 =	slt.s32 s24, $0x1  }
0x126: {  	v7 =	vld @!p0 [tilespmem:$0x3000];
	_ =	sdelay $0x1  }
0x127: {  	v8 =	vld @!p0 [tilespmem:$0x2000];
	_ =	sdelay $0x2  }
0x128: {  	v9 =	vsub.s32 @!p0 v7, v6;
	_ =	sdelay $0x1  }
0x129: {  	[tilespmem:$0x4000] =	vst @!p0 v8;
	v8 =	vld @!p0 [tilespmem:$0x3010];
	_ =	sdelay $0x1  }
0x12a: {  	s4 =	simm.s32 @!p0 $0x1000;
	[tilespmem:$0x4200] =	vst @!p0 v7  }
0x12b: {  	v7 =	vld.idx.msk @!p0 [tilespmem:v9+s4+$0x0], $0xffff  }
0x12c: {  	v9 =	vld @!p0 [tilespmem:$0x2010]  }
0x12d: {  	v10 =	vsub.s32 @!p0 v8, v6;
	_ =	sdelay $0x1  }
0x12e: {  	[tilespmem:$0x4210] =	vst @!p0 v8  }
0x12f: {  	[tilespmem:$0x4100] =	vst @!p0 v7  }
0x130: {  	[tilespmem:$0x4010] =	vst @!p0 v9  }
0x131: {  	v7 =	vld.idx.msk @!p0 [tilespmem:v10+s4+$0x0], $0xffff;
	_ =	sdelay $0x4  }
0x132: {  	s8 =	simm.s32 @!p0 $0x4100;
	s16 =	simm.s32 @!p0 $0x4300;
	s4 =	simm.s32 @!p0 $0x20;
	[tilespmem:$0x4110] =	vst @!p0 v7  }
0x133: {  	[tilespmem:s16], [sflag:$0x1] =	stream.indirect.gather @!p0 [hbm4b:s6+s4], $0x80, s8, s4, $0xb8;
	[tilespmem:$0x16F40] =	vst v63  }
0x134: {  	s8 =	simm.s32 @!p0 $0x4200;
	s16 =	simm.s32 @!p0 $0x6300  }
0x135: {  	[tilespmem:s16], [sflag:$0x3] =	stream.indirect.gather @!p0 [hbm4b:s7+s4], $0x80, s8, s4, $0xb8;
	[tilespmem:$0x16F40] =	vst v63  }
0x136: {  	s4 =	sadd.s32 $0x1, s24  }
0x137: {  	s16 =	sand.u32 $0x1, s4  }
0x138: {  	p5 =	slt.s32 s24, $0x0;
	p6 =	seq.s32 s16, $0x1  }
0x139: {  	s31 =	sshrl.u32 s4, $0x1F;
	p0 =	por !p5, !p6  }
0x13a: {  	s8 =	simm.s32 $0x1;
	s4 =	sadd.s32 s31, s4;
	p0 =	por !p0, !p0  }
0x13b: {  	s4 =	sshra.s32 s4, $0x1;
	s8 =	simm.s32 @!p0 $0x0  }
0x13c: {  	s29 =	ssub.s32 s4, s8  }
0x13d: {  	p0 =	slt.s32 s29, $0x1  }
.Ltmp8:
0x13e: {  	_ = 	snop;
	(pc) =	sbr.rel @!p0 .LBB2_8-.Ltmp8, $4  }
.Ltmp9:
0x13f: {  	_ = 	snop;
	(pc) =	sbr.rel @p0 .LBB2_17-.Ltmp9, $4  }
0x140: {  	_ = 	snop  }
0x141: {  	_ = 	snop  }
0x142: {  	s30 =	simm.s32 $0x0  }
0x143: {  	_ = 	snop  }
.LBB2_16:
0x144: {  	s30 =	sadd.s32 $0x1, s30  }
0x145: {  	p0 =	sne.s32 s30, s29  }
.Ltmp10:
0x146: {  	_ = 	snop;
	(pc) =	sbr.rel @!p0 .LBB2_17-.Ltmp10, $1  }
0x147: {  	_ =	sdelay $0x3  }
.LBB2_8:
0x148: {  	s4 =	sshllo.u32 s30, $0x1  }
0x149: {  	p0 =	sge.s32 s4, s24  }
0x14a: {  	s4 =	sshll.u32 @!p0 s4, $0x5  }
0x14b: {  	v7 =	vld @!p0 [tilespmem:s4+$0x3000];
	_ =	sdelay $0x2  }
0x14c: {  	v8 =	vld @!p0 [tilespmem:s4+$0x2000];
	_ =	sdelay $0x1  }
0x14d: {  	v9 =	vsub.s32 @!p0 v7, v6;
	_ =	sdelay $0x2  }
0x14e: {  	[tilespmem:$0x4080] =	vst @!p0 v8  }
0x14f: {  	s8 =	simm.s32 @!p0 $0x1000;
	[tilespmem:$0x4280] =	vst @!p0 v7  }
0x150: {  	v7 =	vld.idx.msk @!p0 [tilespmem:v9+s8+$0x0], $0xffff;
	_ =	sdelay $0x4  }
0x151: {  	[tilespmem:$0x4180] =	vst @!p0 v7  }
0x152: {  	v7 =	vld @!p0 [tilespmem:s4+$0x3010];
	_ =	sdelay $0x2  }
0x153: {  	v8 =	vld @!p0 [tilespmem:s4+$0x2010];
	_ =	sdelay $0x1  }
0x154: {  	v9 =	vsub.s32 @!p0 v7, v6;
	_ =	sdelay $0x2  }
0x155: {  	[tilespmem:$0x4090] =	vst @!p0 v8  }
0x156: {  	[tilespmem:$0x4290] =	vst @!p0 v7  }
0x157: {  	v7 =	vld.idx.msk @!p0 [tilespmem:v9+s8+$0x0], $0xffff;
	_ =	sdelay $0x1  }
0x158: {  	s31 =	sshll.u32 s30, $0x1  }
0x159: {  	p1 =	sge.s32 s31, s24  }
.Ltmp11:
0x15a: {  	_ = 	snop;
	(pc) =	sbr.rel @p1 .LBB2_12-.Ltmp11, $4  }
0x15b: {  	s16 =	simm.s32 @!p0 $0x5300;
	s4 =	simm.s32 @!p0 $0x20;
	s8 =	simm.s32 @!p0 $0x4180;
	[tilespmem:$0x4190] =	vst @!p0 v7  }
0x15c: {  	[tilespmem:s16], [sflag:$0x2] =	stream.indirect.gather @!p0 [hbm4b:s6+s4], $0x80, s8, s4, $0xb8;
	[tilespmem:$0x16F40] =	vst v63  }
0x15d: {  	s8 =	simm.s32 @!p0 $0x4280;
	s16 =	simm.s32 @!p0 $0x7300  }
0x15e: {  	[tilespmem:s16], [sflag:$0x4] =	stream.indirect.gather @!p0 [hbm4b:s7+s4], $0x80, s8, s4, $0xb8;
	[tilespmem:$0x16F40] =	vst v63  }
0x15f: {  	_ =	swait.ge [sflag:s14], $0x1000  }
0x160: {  	[sflag:s14] =	ssyncset.done $0x0  }
0x161: {  	[sflag:s14] =	ssyncadd.s32 $0xFFFFF000  }
0x162: {  	_ =	swait.ge [sflag:s15], $0x1000  }
0x163: {  	[sflag:s15] =	ssyncset.done $0x0  }
0x164: {  	s4 =	simm.s32 $0x0;
	[sflag:s15] =	ssyncadd.s32 $0xFFFFF000  }
0x165: {  	v7 =	vld [tilespmem:s4+$0x4370]  }
0x166: {  	v8 =	vld [tilespmem:s4+$0x6370]  }
0x167: {  	v9 =	vld [tilespmem:s4+$0x4300]  }
0x168: {  	v10 =	vld [tilespmem:s4+$0x6300]  }
0x169: {  	v11 =	vld [tilespmem:s4+$0x4310]  }
0x16a: {  	v12 =	vld [tilespmem:s4+$0x6310]  }
0x16b: {  	v13 =	vld [tilespmem:s4+$0x4320]  }
0x16c: {  	v14 =	vld [tilespmem:s4+$0x4330]  }
0x16d: {  	v7 =	vmul.f32 v8, v7;
	v8 =	vld [tilespmem:s4+$0x6320]  }
0x16e: {  	v15 =	vld [tilespmem:s4+$0x6330]  }
0x16f: {  	v16 =	vld [tilespmem:s4+$0x6340];
	v9 =	vmul.f32 v10, v9  }
0x170: {  	[tilespmem:s4+$0x8370] =	vst v7;
	v7 =	vmul.f32 v12, v11;
	v12 =	vld [tilespmem:s4+$0x4340]  }
0x171: {  	v10 =	vld [tilespmem:s4+$0x6350];
	[tilespmem:s4+$0x8300] =	vst v9  }
0x172: {  	v9 =	vld [tilespmem:s4+$0x4350];
	[tilespmem:s4+$0x8310] =	vst v7;
	v7 =	vmul.f32 v8, v13  }
0x173: {  	v11 =	vld [tilespmem:s4+$0x6360];
	v13 =	vmul.f32 v15, v14  }
0x174: {  	s16 =	simm.s32 $0x80;
	[tilespmem:s4+$0x8320] =	vst v7;
	v7 =	vld [tilespmem:s4+$0x4360]  }
0x175: {  	s8 =	simm.s32 $0x400;
	v12 =	vmul.f32 v16, v12;
	v8 =	vld [tilespmem:s16+$0x4370];
	[tilespmem:s4+$0x8330] =	vst v13  }
.LBB2_10:
0x176: {  	p1 =	sne.s32 s8, $0x3E00;
	v13 =	vld [tilespmem:s16+$0x6370]  }
0x177: {  	v14 =	vld [tilespmem:s16+$0x4300];
	[tilespmem:s4+$0x8340] =	vst v12;
	v9 =	vmul.f32 v10, v9  }
0x178: {  	v10 =	vld [tilespmem:s16+$0x6300]  }
0x179: {  	v12 =	vld [tilespmem:s16+$0x4310];
	[tilespmem:s4+$0x8350] =	vst v9;
	v7 =	vmul.f32 v11, v7  }
0x17a: {  	v9 =	vld [tilespmem:s16+$0x6310]  }
0x17b: {  	v11 =	vld [tilespmem:s16+$0x4320];
	v8 =	vmul.f32 v13, v8;
	[tilespmem:s4+$0x8360] =	vst v7;
	s4 =	smov.u32 s16  }
0x17c: {  	v7 =	vld [tilespmem:s4+$0x6320]  }
0x17d: {  	v10 =	vmul.f32 v10, v14;
	v13 =	vld [tilespmem:s4+$0x4330];
	[tilespmem:s4+$0x8370] =	vst v8  }
0x17e: {  	v8 =	vld [tilespmem:s4+$0x6330]  }
0x17f: {  	[tilespmem:s4+$0x8300] =	vst v10;
	v9 =	vmul.f32 v9, v12;
	v12 =	vld [tilespmem:s4+$0x4340]  }
0x180: {  	v14 =	vld [tilespmem:s4+$0x6340]  }
.Ltmp12:
0x181: {  	[tilespmem:s4+$0x8310] =	vst v9;
	v7 =	vmul.f32 v7, v11;
	v9 =	vld [tilespmem:s4+$0x4350];
	(pc) =	sbr.rel @p1 .LBB2_10-.Ltmp12, $4  }
0x182: {  	v10 =	vld [tilespmem:s4+$0x6350]  }
0x183: {  	[tilespmem:s4+$0x8320] =	vst v7;
	v13 =	vmul.f32 v8, v13;
	v7 =	vld [tilespmem:s4+$0x4360]  }
0x184: {  	s16 =	sshra.s32 s8, $0x2;
	v11 =	vld [tilespmem:s4+$0x6360]  }
0x185: {  	s8 =	sadd.s32 $0x200, s8;
	v8 =	vld [tilespmem:s16+$0x4370];
	[tilespmem:s4+$0x8330] =	vst v13;
	v12 =	vmul.f32 v14, v12  }
0x186: {  	v13 =	vld [tilespmem:s16+$0x6370]  }
0x187: {  	v14 =	vld [tilespmem:s16+$0x4300];
	[tilespmem:s4+$0x8340] =	vst v12;
	v9 =	vmul.f32 v10, v9  }
0x188: {  	v56 =	vld [tilespmem:s16+$0x6300]  }
0x189: {  	v12 =	vld [tilespmem:s16+$0x4310];
	[tilespmem:s4+$0x8350] =	vst v9;
	v7 =	vmul.f32 v11, v7  }
0x18a: {  	v9 =	vld [tilespmem:s16+$0x6310]  }
0x18b: {  	v57 =	vld [tilespmem:s16+$0x4320];
	[tilespmem:s4+$0x8360] =	vst v7  }
0x18c: {  	v7 =	vmul.f32 v13, v8;
	v8 =	vld [tilespmem:s16+$0x6320]  }
0x18d: {  	v58 =	vld [tilespmem:s16+$0x4330]  }
0x18e: {  	v59 =	vld [tilespmem:s16+$0x4340]  }
0x18f: {  	v60 =	vld [tilespmem:s16+$0x6340]  }
0x190: {  	v61 =	vld [tilespmem:s16+$0x4350]  }
0x191: {  	[tilespmem:s16+$0x8370] =	vst v7;
	v7 =	vld [tilespmem:s16+$0x6330]  }
0x192: {  	v62 =	vld [tilespmem:s16+$0x6350];
	v8 =	vmul.f32 v8, v57  }
0x193: {  	v63 =	vld [tilespmem:s16+$0x6360]  }
0x194: {  	v10 =	vmul.f32 v56, v14;
	[tilespmem:s16+$0x8320] =	vst v8;
	v8 =	vld [tilespmem:s16+$0x4360]  }
0x195: {  	v9 =	vmul.f32 v9, v12  }
0x196: {  	[tilespmem:s16+$0x8300] =	vst v10;
	v7 =	vmul.f32 v7, v58  }
0x197: {  	[tilespmem:s16+$0x8310] =	vst v9;
	v10 =	vmul.f32 v60, v59  }
0x198: {  	[tilespmem:s16+$0x8330] =	vst v7;
	v7 =	vmul.f32 v62, v61  }
0x199: {  	[tilespmem:s16+$0x8340] =	vst v10;
	v8 =	vmul.f32 v63, v8  }
0x19a: {  	[tilespmem:s16+$0x8350] =	vst v7  }
0x19b: {  	[tilespmem:s16+$0x8360] =	vst v8  }
0x19c: {  	[spmem:s3] =	stream.indirect.scatter.add.f32 [tilespmem:s21], [sflag:$0x6], $0x80, s20, s19, $0xb8;
	[tilespmem:$0x16F40] =	vst v63  }
0x19d: {  	_ =	swait.ge [sflag:s25], $0x1000  }
0x19e: {  	[sflag:s25] =	ssyncset.done $0x0  }
0x19f: {  	[sflag:s25] =	ssyncadd.s32 $0xFFFFF000  }
.LBB2_12:
0x1a0: {  	s4 =	sadd.s32 $0x2, s31  }
0x1a1: {  	p1 =	sge.s32 s4, s24  }
0x1a2: {  	s4 =	sshll.u32 @!p1 s4, $0x5  }
0x1a3: {  	v7 =	vld @!p1 [tilespmem:s4+$0x3000];
	_ =	sdelay $0x2  }
0x1a4: {  	v8 =	vld @!p1 [tilespmem:s4+$0x2000];
	_ =	sdelay $0x1  }
0x1a5: {  	v9 =	vsub.s32 @!p1 v7, v6;
	_ =	sdelay $0x2  }
0x1a6: {  	[tilespmem:$0x4000] =	vst @!p1 v8  }
0x1a7: {  	s8 =	simm.s32 @!p1 $0x1000;
	[tilespmem:$0x4200] =	vst @!p1 v7  }
0x1a8: {  	v7 =	vld.idx.msk @!p1 [tilespmem:v9+s8+$0x0], $0xffff;
	_ =	sdelay $0x4  }
0x1a9: {  	[tilespmem:$0x4100] =	vst @!p1 v7  }
0x1aa: {  	v7 =	vld @!p1 [tilespmem:s4+$0x3010];
	_ =	sdelay $0x2  }
0x1ab: {  	v8 =	vld @!p1 [tilespmem:s4+$0x2010];
	_ =	sdelay $0x1  }
0x1ac: {  	v9 =	vsub.s32 @!p1 v7, v6;
	_ =	sdelay $0x2  }
0x1ad: {  	[tilespmem:$0x4010] =	vst @!p1 v8  }
0x1ae: {  	[tilespmem:$0x4210] =	vst @!p1 v7  }
0x1af: {  	v7 =	vld.idx.msk @!p1 [tilespmem:v9+s8+$0x0], $0xffff;
	_ =	sdelay $0x3  }
.Ltmp13:
0x1b0: {  	_ = 	snop;
	(pc) =	sbr.rel @p0 .LBB2_16-.Ltmp13, $4  }
0x1b1: {  	s16 =	simm.s32 @!p1 $0x4300;
	s4 =	simm.s32 @!p1 $0x20;
	s8 =	simm.s32 @!p1 $0x4100;
	[tilespmem:$0x4110] =	vst @!p1 v7  }
0x1b2: {  	[tilespmem:s16], [sflag:$0x1] =	stream.indirect.gather @!p1 [hbm4b:s6+s4], $0x80, s8, s4, $0xb8;
	[tilespmem:$0x16F40] =	vst v63  }
0x1b3: {  	s8 =	simm.s32 @!p1 $0x4200;
	s16 =	simm.s32 @!p1 $0x6300  }
0x1b4: {  	[tilespmem:s16], [sflag:$0x3] =	stream.indirect.gather @!p1 [hbm4b:s7+s4], $0x80, s8, s4, $0xb8;
	[tilespmem:$0x16F40] =	vst v63  }
0x1b5: {  	_ =	swait.ge [sflag:s26], $0x1000  }
0x1b6: {  	[sflag:s26] =	ssyncset.done $0x0  }
0x1b7: {  	[sflag:s26] =	ssyncadd.s32 $0xFFFFF000  }
0x1b8: {  	_ =	swait.ge [sflag:s28], $0x1000  }
0x1b9: {  	[sflag:s28] =	ssyncset.done $0x0  }
0x1ba: {  	s4 =	simm.s32 $0x0;
	[sflag:s28] =	ssyncadd.s32 $0xFFFFF000  }
0x1bb: {  	v7 =	vld [tilespmem:s4+$0x5370]  }
0x1bc: {  	v8 =	vld [tilespmem:s4+$0x7370]  }
0x1bd: {  	v9 =	vld [tilespmem:s4+$0x5300]  }
0x1be: {  	v10 =	vld [tilespmem:s4+$0x7300]  }
0x1bf: {  	v11 =	vld [tilespmem:s4+$0x5310]  }
0x1c0: {  	v12 =	vld [tilespmem:s4+$0x7310]  }
0x1c1: {  	v13 =	vld [tilespmem:s4+$0x5320]  }
0x1c2: {  	v14 =	vld [tilespmem:s4+$0x5330]  }
0x1c3: {  	v7 =	vmul.f32 v8, v7;
	v8 =	vld [tilespmem:s4+$0x7320]  }
0x1c4: {  	v15 =	vld [tilespmem:s4+$0x7330]  }
0x1c5: {  	v16 =	vld [tilespmem:s4+$0x7340];
	v9 =	vmul.f32 v10, v9  }
0x1c6: {  	[tilespmem:s4+$0x8370] =	vst v7;
	v7 =	vmul.f32 v12, v11;
	v12 =	vld [tilespmem:s4+$0x5340]  }
0x1c7: {  	v10 =	vld [tilespmem:s4+$0x7350];
	[tilespmem:s4+$0x8300] =	vst v9  }
0x1c8: {  	v9 =	vld [tilespmem:s4+$0x5350];
	[tilespmem:s4+$0x8310] =	vst v7;
	v7 =	vmul.f32 v8, v13  }
0x1c9: {  	v11 =	vld [tilespmem:s4+$0x7360];
	v13 =	vmul.f32 v15, v14  }
0x1ca: {  	s16 =	simm.s32 $0x80;
	[tilespmem:s4+$0x8320] =	vst v7;
	v7 =	vld [tilespmem:s4+$0x5360]  }
0x1cb: {  	s8 =	simm.s32 $0x400;
	v12 =	vmul.f32 v16, v12;
	v8 =	vld [tilespmem:s16+$0x5370];
	[tilespmem:s4+$0x8330] =	vst v13  }
.LBB2_14:
0x1cc: {  	p0 =	sne.s32 s8, $0x3E00;
	v13 =	vld [tilespmem:s16+$0x7370]  }
0x1cd: {  	v14 =	vld [tilespmem:s16+$0x5300];
	[tilespmem:s4+$0x8340] =	vst v12;
	v9 =	vmul.f32 v10, v9  }
0x1ce: {  	v10 =	vld [tilespmem:s16+$0x7300]  }
0x1cf: {  	v12 =	vld [tilespmem:s16+$0x5310];
	[tilespmem:s4+$0x8350] =	vst v9;
	v7 =	vmul.f32 v11, v7  }
0x1d0: {  	v9 =	vld [tilespmem:s16+$0x7310]  }
0x1d1: {  	v11 =	vld [tilespmem:s16+$0x5320];
	v8 =	vmul.f32 v13, v8;
	[tilespmem:s4+$0x8360] =	vst v7;
	s4 =	smov.u32 s16  }
0x1d2: {  	v7 =	vld [tilespmem:s4+$0x7320]  }
0x1d3: {  	v10 =	vmul.f32 v10, v14;
	v13 =	vld [tilespmem:s4+$0x5330];
	[tilespmem:s4+$0x8370] =	vst v8  }
0x1d4: {  	v8 =	vld [tilespmem:s4+$0x7330]  }
0x1d5: {  	[tilespmem:s4+$0x8300] =	vst v10;
	v9 =	vmul.f32 v9, v12;
	v12 =	vld [tilespmem:s4+$0x5340]  }
0x1d6: {  	v14 =	vld [tilespmem:s4+$0x7340]  }
.Ltmp14:
0x1d7: {  	[tilespmem:s4+$0x8310] =	vst v9;
	v7 =	vmul.f32 v7, v11;
	v9 =	vld [tilespmem:s4+$0x5350];
	(pc) =	sbr.rel @p0 .LBB2_14-.Ltmp14, $4  }
0x1d8: {  	v10 =	vld [tilespmem:s4+$0x7350]  }
0x1d9: {  	[tilespmem:s4+$0x8320] =	vst v7;
	v13 =	vmul.f32 v8, v13;
	v7 =	vld [tilespmem:s4+$0x5360]  }
0x1da: {  	s16 =	sshra.s32 s8, $0x2;
	v11 =	vld [tilespmem:s4+$0x7360]  }
0x1db: {  	s8 =	sadd.s32 $0x200, s8;
	v8 =	vld [tilespmem:s16+$0x5370];
	[tilespmem:s4+$0x8330] =	vst v13;
	v12 =	vmul.f32 v14, v12  }
0x1dc: {  	v13 =	vld [tilespmem:s16+$0x7370]  }
0x1dd: {  	v14 =	vld [tilespmem:s16+$0x5300];
	[tilespmem:s4+$0x8340] =	vst v12;
	v9 =	vmul.f32 v10, v9  }
0x1de: {  	v56 =	vld [tilespmem:s16+$0x7300]  }
0x1df: {  	v12 =	vld [tilespmem:s16+$0x5310];
	[tilespmem:s4+$0x8350] =	vst v9;
	v7 =	vmul.f32 v11, v7  }
0x1e0: {  	v9 =	vld [tilespmem:s16+$0x7310]  }
0x1e1: {  	v57 =	vld [tilespmem:s16+$0x5320];
	[tilespmem:s4+$0x8360] =	vst v7  }
0x1e2: {  	v7 =	vmul.f32 v13, v8;
	v8 =	vld [tilespmem:s16+$0x7320]  }
0x1e3: {  	v58 =	vld [tilespmem:s16+$0x5330]  }
0x1e4: {  	v59 =	vld [tilespmem:s16+$0x5340]  }
0x1e5: {  	v60 =	vld [tilespmem:s16+$0x7340]  }
0x1e6: {  	v61 =	vld [tilespmem:s16+$0x5350]  }
0x1e7: {  	[tilespmem:s16+$0x8370] =	vst v7;
	v7 =	vld [tilespmem:s16+$0x7330]  }
0x1e8: {  	v62 =	vld [tilespmem:s16+$0x7350];
	v8 =	vmul.f32 v8, v57  }
0x1e9: {  	v63 =	vld [tilespmem:s16+$0x7360]  }
0x1ea: {  	v10 =	vmul.f32 v56, v14;
	[tilespmem:s16+$0x8320] =	vst v8;
	v8 =	vld [tilespmem:s16+$0x5360]  }
0x1eb: {  	v9 =	vmul.f32 v9, v12  }
0x1ec: {  	[tilespmem:s16+$0x8300] =	vst v10;
	v7 =	vmul.f32 v7, v58  }
0x1ed: {  	[tilespmem:s16+$0x8310] =	vst v9;
	v10 =	vmul.f32 v60, v59  }
0x1ee: {  	[tilespmem:s16+$0x8330] =	vst v7;
	v7 =	vmul.f32 v62, v61  }
0x1ef: {  	[tilespmem:s16+$0x8340] =	vst v10;
	v8 =	vmul.f32 v63, v8  }
0x1f0: {  	[tilespmem:s16+$0x8350] =	vst v7  }
.Ltmp15:
0x1f1: {  	[tilespmem:s16+$0x8360] =	vst v8;
	(pc) =	sbr.rel .LBB2_16-.Ltmp15, $4  }
0x1f2: {  	[spmem:s3] =	stream.indirect.scatter.add.f32 [tilespmem:s21], [sflag:$0x5], $0x80, s12, s19, $0xb8;
	[tilespmem:$0x16F40] =	vst v63  }
0x1f3: {  	_ =	swait.ge [sflag:s11], $0x1000  }
0x1f4: {  	[sflag:s11] =	ssyncset.done $0x0  }
0x1f5: {  	[sflag:s11] =	ssyncadd.s32 $0xFFFFF000  }
.LBB2_20:
0x1f6: {  	_ =	sfence.sel $0x180000  }
0x1f7: {  	[bflag:$0x0] =	sbarrier.arrive $0xFFFF  }
0x1f8: {  	_ =	strace $0x90000047  }
0x1f9: {  	s0 =	stileid.u32;
	[bflag:$0x2] =	sbarrier.arrive $0xFFFF  }
0x1fa: {  	p0 =	sne.s32 s0, $0x0;
	s0 =	rddreg [dreg:$0x4]  }
0x1fb: {  	s0 =	sadd.s32 @!p0 $0x100000, s0  }
0x1fc: {  	[sflag:s0] =	ssyncadd.tile.s32 @!p0 $0x1;
	_ =	shalt  }
.Lfunc_end2:
_tile_overlayer_lowered:
.L_overlay_start_2:
0x1fd: {  	(tag) =	ssettag $0x2  }
0x1fe: {  	s0 =	rddreg [dreg:$0x0];
	s2 =	stileid.u32  }
0x1ff: {  	s1 =	rddreg [dreg:$0x1];
	p0 =	sne.s32 s2, $0x0  }
0x200: {  	s3 =	rddreg [dreg:$0x2];
	[bflag:$0x3] =	sbarrier.arrive $0xFFFF;
	s2 =	simm.s32 @!p0 $0x1C05  }
0x201: {  	[timem:s3], [sflag:s2] =	dma.local @!p0 [hbm:s0], s1  }
0x202: {  	s0 =	simm.s32 @!p0 $0x5  }
0x203: {  	_ =	swait.ge @!p0 [sflag:s0], s1  }
0x204: {  	s1 =	ssub.s32 @!p0 $0x0, s1;
	[sflag:s0] =	ssyncset.done @!p0 $0x0  }
0x205: {  	[sflag:s0] =	ssyncadd.s32 @!p0 s1  }
0x206: {  	[bflag:$0x3] =	sbarrier.arrive $0xFFFF  }
0x207: {  	_ =	shalt  }

</sc_bundles>
